<compile_context>
chip_gen: v7x
topology: tpu7x:2x2x1
jax: 0.10.2.dev20260603
libtpu: 0.0.44.dev20260713+nightly
codegen_flags: <defaults>
</compile_context>

<pallas_src>
import functools

import jax
import jax.numpy as jnp
from jax import lax
from jax.experimental import pallas as pl
from jax.experimental.pallas import tpu as pltpu
from jax.experimental.pallas import tpu_sc as plsc

N_VOCAB = 100000
N_DIM = 128
B_TOTAL = 4096 * 50
NW = 32
B_PER_W = B_TOTAL // NW
NBUF = 8
CHUNK = 40
N_CHUNKS = B_PER_W // CHUNK
N_OUTER = N_CHUNKS // NBUF


def _make_emb_kernel():
    mesh = plsc.VectorSubcoreMesh(core_axis_name="c", subcore_axis_name="s")

    scratch = [pltpu.VMEM((B_PER_W,), jnp.int32)]
    scratch += [pltpu.VMEM((CHUNK, N_DIM), jnp.float32) for _ in range(NBUF)]
    scratch += [pltpu.SemaphoreType.DMA for _ in range(2 * NBUF)]

    @functools.partial(
        pl.kernel,
        mesh=mesh,
        out_type=jax.ShapeDtypeStruct((B_TOTAL, N_DIM), jnp.float32),
        scratch_types=scratch,
    )
    def emb(weight_hbm, idx_hbm, out_hbm, idx_v, *bufs_and_sems):
        rows = bufs_and_sems[:NBUF]
        gsem = bufs_and_sems[NBUF:2 * NBUF]
        ssem = bufs_and_sems[2 * NBUF:]

        wid = lax.axis_index("s") * 2 + lax.axis_index("c")
        base = wid * B_PER_W
        pltpu.sync_copy(idx_hbm.at[pl.ds(base, B_PER_W)], idx_v)

        def issue_gather(c, b):
            pltpu.async_copy(
                weight_hbm.at[idx_v.at[pl.ds(c * CHUNK, CHUNK)]],
                rows[b],
                gsem[b],
            )

        def wait_gather(c, b):
            pltpu.make_async_copy(
                weight_hbm.at[idx_v.at[pl.ds(c * CHUNK, CHUNK)]],
                rows[b],
                gsem[b],
            ).wait()

        def issue_scatter(c, b):
            pltpu.async_copy(
                rows[b],
                out_hbm.at[pl.ds(base + c * CHUNK, CHUNK)],
                ssem[b],
            )

        def wait_scatter(c, b):
            pltpu.make_async_copy(
                rows[b],
                out_hbm.at[pl.ds(base + c * CHUNK, CHUNK)],
                ssem[b],
            ).wait()

        for b in range(NBUF):
            issue_gather(b, b)

        def outer(o):
            for b in range(NBUF):
                c = o * NBUF + b
                wait_gather(c, b)
                issue_scatter(c, b)
            for b in range(NBUF):
                c = o * NBUF + b
                wait_scatter(c, b)
                issue_gather(c + NBUF, b)

        pl.loop(0, N_OUTER - 1)(outer)

        for b in range(NBUF):
            c = (N_OUTER - 1) * NBUF + b
            wait_gather(c, b)
            issue_scatter(c, b)
        for b in range(NBUF):
            c = (N_OUTER - 1) * NBUF + b
            wait_scatter(c, b)



    return emb


_emb = _make_emb_kernel()


@jax.jit
def kernel(input, weight):
    idx = input.astype(jnp.int32).T.reshape(-1)
    out = _emb(weight, idx)
    return out.reshape(50, 4096, N_DIM).transpose(1, 0, 2)

# --- scband reference (transcript-rebuilt; emitter-appended) ---
"""Pipeline reference for scband-embedding-40604620816884 (READ-ONLY COPY).

The authoritative reference and input builder live on the scoring server;
editing this copy changes nothing except your own understanding.
"""

import jax, jax.numpy as jnp
import numpy as np

N_VOCAB = 100000
N_DIM = 128

def setup_inputs(seed: int = 0) -> dict:
    key = jax.random.key(seed)
    k1, k2 = jax.random.split(key)
    input = jax.random.randint(k1, (4096, 50), 0, N_VOCAB, dtype=jnp.int64 if jax.config.read('jax_enable_x64') else jnp.int32)
    weight = jax.random.normal(k2, (N_VOCAB, N_DIM), dtype=jnp.float32)
    return {"input": input, "weight": weight}

def reference(input, weight):
    # nn.Embedding forward: row gather from the embedding table
    return jnp.take(weight, input, axis=0)

if __name__ == "__main__":
    import jax
    _d = setup_inputs()
    print(jax.jit(kernel)(*tuple(_d.values())))

</pallas_src>

<mosaic_0001>
#map = affine_map<(d0, d1) -> (0, 0)>
#map1 = affine_map<(d0, d1) -> (0)>
module attributes {stable_mosaic.version = 14 : i64} {
  func.func @emb(%arg0: i32, %arg1: i32, %arg2: memref<100000x128xf32, #tpu.memory_space<hbm>>, %arg3: memref<204800xi32, #tpu.memory_space<hbm>>, %arg4: memref<204800x128xf32, #tpu.memory_space<hbm>>, %arg5: memref<6400xi32, #tpu.memory_space<vmem>>, %arg6: memref<40x128xf32, #tpu.memory_space<vmem>>, %arg7: memref<40x128xf32, #tpu.memory_space<vmem>>, %arg8: memref<40x128xf32, #tpu.memory_space<vmem>>, %arg9: memref<40x128xf32, #tpu.memory_space<vmem>>, %arg10: memref<40x128xf32, #tpu.memory_space<vmem>>, %arg11: memref<40x128xf32, #tpu.memory_space<vmem>>, %arg12: memref<40x128xf32, #tpu.memory_space<vmem>>, %arg13: memref<40x128xf32, #tpu.memory_space<vmem>>, %arg14: memref<!tpu.dma_semaphore, #tpu.memory_space<semaphore_mem>>, %arg15: memref<!tpu.dma_semaphore, #tpu.memory_space<semaphore_mem>>, %arg16: memref<!tpu.dma_semaphore, #tpu.memory_space<semaphore_mem>>, %arg17: memref<!tpu.dma_semaphore, #tpu.memory_space<semaphore_mem>>, %arg18: memref<!tpu.dma_semaphore, #tpu.memory_space<semaphore_mem>>, %arg19: memref<!tpu.dma_semaphore, #tpu.memory_space<semaphore_mem>>, %arg20: memref<!tpu.dma_semaphore, #tpu.memory_space<semaphore_mem>>, %arg21: memref<!tpu.dma_semaphore, #tpu.memory_space<semaphore_mem>>, %arg22: memref<!tpu.dma_semaphore, #tpu.memory_space<semaphore_mem>>, %arg23: memref<!tpu.dma_semaphore, #tpu.memory_space<semaphore_mem>>, %arg24: memref<!tpu.dma_semaphore, #tpu.memory_space<semaphore_mem>>, %arg25: memref<!tpu.dma_semaphore, #tpu.memory_space<semaphore_mem>>, %arg26: memref<!tpu.dma_semaphore, #tpu.memory_space<semaphore_mem>>, %arg27: memref<!tpu.dma_semaphore, #tpu.memory_space<semaphore_mem>>, %arg28: memref<!tpu.dma_semaphore, #tpu.memory_space<semaphore_mem>>, %arg29: memref<!tpu.dma_semaphore, #tpu.memory_space<semaphore_mem>>) attributes {dimension_semantics = [#tpu.dimension_semantics<core_parallel>, #tpu.dimension_semantics<subcore_parallel>], iteration_bounds = array<i64: 2, 16>, scalar_prefetch = 0 : i64, scratch_operands = 25 : i64, tpu.core_type = #tpu.core_type<sc_vector_subcore>, window_params = [{transform_indices = #map}, {transform_indices = #map1}, {transform_indices = #map}]} {
    %mul3A = arith.constant 2 : i32
    %mul3A_0 = arith.muli %arg1, %mul3A : i32
    %add3A = arith.addi %mul3A_0, %arg0 : i32
    %mul3A_1 = arith.constant 6400 : i32
    %mul3A_2 = arith.muli %add3A, %mul3A_1 : i32
    "tpu.region"() ({
      %run_scoped3A = tpu.sem_alloc : memref<!tpu.dma_semaphore, #tpu.memory_space<semaphore_mem>>
      %dma_start3A_181 = tpu.memref_slice %arg3[%mul3A_2] : memref<204800xi32, #tpu.memory_space<hbm>> -> memref<6400xi32, #tpu.memory_space<hbm>>
      %dma_start3A_182 = tpu.memref_slice %arg3[%mul3A_2] : memref<204800xi32, #tpu.memory_space<hbm>> -> memref<6400xi32, #tpu.memory_space<hbm>>
      tpu.enqueue_dma source(%dma_start3A_182 : memref<6400xi32, #tpu.memory_space<hbm>>) target(%arg5 : memref<6400xi32, #tpu.memory_space<vmem>>) target_semaphore(%run_scoped3A : memref<!tpu.dma_semaphore, #tpu.memory_space<semaphore_mem>>)
      %dma_wait3A_183 = tpu.memref_slice %arg3[%mul3A_2] : memref<204800xi32, #tpu.memory_space<hbm>> -> memref<6400xi32, #tpu.memory_space<hbm>>
      %dma_wait3A_184 = tpu.memref_slice %arg3[%mul3A_2] : memref<204800xi32, #tpu.memory_space<hbm>> -> memref<6400xi32, #tpu.memory_space<hbm>>
      tpu.wait_dma2 semaphore(%run_scoped3A : memref<!tpu.dma_semaphore, #tpu.memory_space<semaphore_mem>>) src(%dma_wait3A_184 : memref<6400xi32, #tpu.memory_space<hbm>>) dst(%arg5 : memref<6400xi32, #tpu.memory_space<vmem>>)
      tpu.yield
    }) : () -> ()
    %dma_start3A = arith.constant 0 : i32
    %dma_start3A_3 = tpu.memref_slice %arg5[%dma_start3A] : memref<6400xi32, #tpu.memory_space<vmem>> -> memref<40xi32, #tpu.memory_space<vmem>>
    %dma_start3A_4 = arith.constant 0 : i32
    %dma_start3A_5 = arith.constant 0 : i32
    %dma_start3A_6 = tpu.memref_slice %arg2[%dma_start3A_4, %dma_start3A_5] : memref<100000x128xf32, #tpu.memory_space<hbm>> -> memref<100000x128xf32, #tpu.memory_space<hbm>>
    tpu.enqueue_indirect_dma source(%dma_start3A_6 : memref<100000x128xf32, #tpu.memory_space<hbm>>) target(%arg6 : memref<40x128xf32, #tpu.memory_space<vmem>>) offsets(%dma_start3A_3 : memref<40xi32, #tpu.memory_space<vmem>>) semaphore(%arg14 : memref<!tpu.dma_semaphore, #tpu.memory_space<semaphore_mem>>)
    %dma_start3A_7 = arith.constant 40 : i32
    %dma_start3A_8 = tpu.memref_slice %arg5[%dma_start3A_7] : memref<6400xi32, #tpu.memory_space<vmem>> -> memref<40xi32, #tpu.memory_space<vmem>>
    %dma_start3A_9 = arith.constant 0 : i32
    %dma_start3A_10 = arith.constant 0 : i32
    %dma_start3A_11 = tpu.memref_slice %arg2[%dma_start3A_9, %dma_start3A_10] : memref<100000x128xf32, #tpu.memory_space<hbm>> -> memref<100000x128xf32, #tpu.memory_space<hbm>>
    tpu.enqueue_indirect_dma source(%dma_start3A_11 : memref<100000x128xf32, #tpu.memory_space<hbm>>) target(%arg7 : memref<40x128xf32, #tpu.memory_space<vmem>>) offsets(%dma_start3A_8 : memref<40xi32, #tpu.memory_space<vmem>>) semaphore(%arg15 : memref<!tpu.dma_semaphore, #tpu.memory_space<semaphore_mem>>)
    %dma_start3A_12 = arith.constant 80 : i32
    %dma_start3A_13 = tpu.memref_slice %arg5[%dma_start3A_12] : memref<6400xi32, #tpu.memory_space<vmem>> -> memref<40xi32, #tpu.memory_space<vmem>>
    %dma_start3A_14 = arith.constant 0 : i32
    %dma_start3A_15 = arith.constant 0 : i32
    %dma_start3A_16 = tpu.memref_slice %arg2[%dma_start3A_14, %dma_start3A_15] : memref<100000x128xf32, #tpu.memory_space<hbm>> -> memref<100000x128xf32, #tpu.memory_space<hbm>>
    tpu.enqueue_indirect_dma source(%dma_start3A_16 : memref<100000x128xf32, #tpu.memory_space<hbm>>) target(%arg8 : memref<40x128xf32, #tpu.memory_space<vmem>>) offsets(%dma_start3A_13 : memref<40xi32, #tpu.memory_space<vmem>>) semaphore(%arg16 : memref<!tpu.dma_semaphore, #tpu.memory_space<semaphore_mem>>)
    %dma_start3A_17 = arith.constant 120 : i32
    %dma_start3A_18 = tpu.memref_slice %arg5[%dma_start3A_17] : memref<6400xi32, #tpu.memory_space<vmem>> -> memref<40xi32, #tpu.memory_space<vmem>>
    %dma_start3A_19 = arith.constant 0 : i32
    %dma_start3A_20 = arith.constant 0 : i32
    %dma_start3A_21 = tpu.memref_slice %arg2[%dma_start3A_19, %dma_start3A_20] : memref<100000x128xf32, #tpu.memory_space<hbm>> -> memref<100000x128xf32, #tpu.memory_space<hbm>>
    tpu.enqueue_indirect_dma source(%dma_start3A_21 : memref<100000x128xf32, #tpu.memory_space<hbm>>) target(%arg9 : memref<40x128xf32, #tpu.memory_space<vmem>>) offsets(%dma_start3A_18 : memref<40xi32, #tpu.memory_space<vmem>>) semaphore(%arg17 : memref<!tpu.dma_semaphore, #tpu.memory_space<semaphore_mem>>)
    %dma_start3A_22 = arith.constant 160 : i32
    %dma_start3A_23 = tpu.memref_slice %arg5[%dma_start3A_22] : memref<6400xi32, #tpu.memory_space<vmem>> -> memref<40xi32, #tpu.memory_space<vmem>>
    %dma_start3A_24 = arith.constant 0 : i32
    %dma_start3A_25 = arith.constant 0 : i32
    %dma_start3A_26 = tpu.memref_slice %arg2[%dma_start3A_24, %dma_start3A_25] : memref<100000x128xf32, #tpu.memory_space<hbm>> -> memref<100000x128xf32, #tpu.memory_space<hbm>>
    tpu.enqueue_indirect_dma source(%dma_start3A_26 : memref<100000x128xf32, #tpu.memory_space<hbm>>) target(%arg10 : memref<40x128xf32, #tpu.memory_space<vmem>>) offsets(%dma_start3A_23 : memref<40xi32, #tpu.memory_space<vmem>>) semaphore(%arg18 : memref<!tpu.dma_semaphore, #tpu.memory_space<semaphore_mem>>)
    %dma_start3A_27 = arith.constant 200 : i32
    %dma_start3A_28 = tpu.memref_slice %arg5[%dma_start3A_27] : memref<6400xi32, #tpu.memory_space<vmem>> -> memref<40xi32, #tpu.memory_space<vmem>>
    %dma_start3A_29 = arith.constant 0 : i32
    %dma_start3A_30 = arith.constant 0 : i32
    %dma_start3A_31 = tpu.memref_slice %arg2[%dma_start3A_29, %dma_start3A_30] : memref<100000x128xf32, #tpu.memory_space<hbm>> -> memref<100000x128xf32, #tpu.memory_space<hbm>>
    tpu.enqueue_indirect_dma source(%dma_start3A_31 : memref<100000x128xf32, #tpu.memory_space<hbm>>) target(%arg11 : memref<40x128xf32, #tpu.memory_space<vmem>>) offsets(%dma_start3A_28 : memref<40xi32, #tpu.memory_space<vmem>>) semaphore(%arg19 : memref<!tpu.dma_semaphore, #tpu.memory_space<semaphore_mem>>)
    %dma_start3A_32 = arith.constant 240 : i32
    %dma_start3A_33 = tpu.memref_slice %arg5[%dma_start3A_32] : memref<6400xi32, #tpu.memory_space<vmem>> -> memref<40xi32, #tpu.memory_space<vmem>>
    %dma_start3A_34 = arith.constant 0 : i32
    %dma_start3A_35 = arith.constant 0 : i32
    %dma_start3A_36 = tpu.memref_slice %arg2[%dma_start3A_34, %dma_start3A_35] : memref<100000x128xf32, #tpu.memory_space<hbm>> -> memref<100000x128xf32, #tpu.memory_space<hbm>>
    tpu.enqueue_indirect_dma source(%dma_start3A_36 : memref<100000x128xf32, #tpu.memory_space<hbm>>) target(%arg12 : memref<40x128xf32, #tpu.memory_space<vmem>>) offsets(%dma_start3A_33 : memref<40xi32, #tpu.memory_space<vmem>>) semaphore(%arg20 : memref<!tpu.dma_semaphore, #tpu.memory_space<semaphore_mem>>)
    %dma_start3A_37 = arith.constant 280 : i32
    %dma_start3A_38 = tpu.memref_slice %arg5[%dma_start3A_37] : memref<6400xi32, #tpu.memory_space<vmem>> -> memref<40xi32, #tpu.memory_space<vmem>>
    %dma_start3A_39 = arith.constant 0 : i32
    %dma_start3A_40 = arith.constant 0 : i32
    %dma_start3A_41 = tpu.memref_slice %arg2[%dma_start3A_39, %dma_start3A_40] : memref<100000x128xf32, #tpu.memory_space<hbm>> -> memref<100000x128xf32, #tpu.memory_space<hbm>>
    tpu.enqueue_indirect_dma source(%dma_start3A_41 : memref<100000x128xf32, #tpu.memory_space<hbm>>) target(%arg13 : memref<40x128xf32, #tpu.memory_space<vmem>>) offsets(%dma_start3A_38 : memref<40xi32, #tpu.memory_space<vmem>>) semaphore(%arg21 : memref<!tpu.dma_semaphore, #tpu.memory_space<semaphore_mem>>)
    %scan3A = arith.constant 0 : i32
    %scan3A_42 = arith.constant 19 : i32
    %scan3A_43 = arith.addi %scan3A, %scan3A_42 : i32
    %scan3A_44 = arith.constant 1 : i32
    scf.for %scan3A_181 = %scan3A to %scan3A_43 step %scan3A_44  : i32 {
      %mul3A_182 = arith.constant 1 : i32
      %mul3A_183 = arith.muli %scan3A_181, %mul3A_182 : i32
      %add3A_184 = arith.constant 0 : i32
      %add3A_185 = arith.addi %add3A_184, %mul3A_183 : i32
      %mul3A_186 = arith.constant 8 : i32
      %mul3A_187 = arith.muli %add3A_185, %mul3A_186 : i32
      %add3A_188 = arith.constant 0 : i32
      %add3A_189 = arith.addi %mul3A_187, %add3A_188 : i32
      %mul3A_190 = arith.constant 40 : i32
      %mul3A_191 = arith.muli %add3A_189, %mul3A_190 : i32
      %dma_wait3A_192 = tpu.memref_slice %arg5[%mul3A_191] : memref<6400xi32, #tpu.memory_space<vmem>> -> memref<40xi32, #tpu.memory_space<vmem>>
      %dma_wait3A_193 = arith.constant 0 : i32
      %dma_wait3A_194 = arith.constant 0 : i32
      %dma_wait3A_195 = tpu.memref_slice %arg2[%dma_wait3A_193, %dma_wait3A_194] : memref<100000x128xf32, #tpu.memory_space<hbm>> -> memref<100000x128xf32, #tpu.memory_space<hbm>>
      tpu.wait_indirect_dma semaphore(%arg14 : memref<!tpu.dma_semaphore, #tpu.memory_space<semaphore_mem>>) src(%dma_wait3A_195 : memref<100000x128xf32, #tpu.memory_space<hbm>>) dst(%arg6 : memref<40x128xf32, #tpu.memory_space<vmem>>)
      %mul3A_196 = arith.constant 40 : i32
      %mul3A_197 = arith.muli %add3A_189, %mul3A_196 : i32
      %add3A_198 = arith.addi %mul3A_2, %mul3A_197 : i32
      %dma_start3A_199 = arith.constant 0 : i32
      %dma_start3A_200 = tpu.memref_slice %arg4[%add3A_198, %dma_start3A_199] : memref<204800x128xf32, #tpu.memory_space<hbm>> -> memref<40x128xf32, #tpu.memory_space<hbm>>
      %dma_start3A_201 = arith.constant 0 : i32
      %dma_start3A_202 = tpu.memref_slice %arg4[%add3A_198, %dma_start3A_201] : memref<204800x128xf32, #tpu.memory_space<hbm>> -> memref<40x128xf32, #tpu.memory_space<hbm>>
      tpu.enqueue_dma source(%arg6 : memref<40x128xf32, #tpu.memory_space<vmem>>) target(%dma_start3A_202 : memref<40x128xf32, #tpu.memory_space<hbm>>) target_semaphore(%arg22 : memref<!tpu.dma_semaphore, #tpu.memory_space<semaphore_mem>>)
      %mul3A_203 = arith.constant 8 : i32
      %mul3A_204 = arith.muli %add3A_185, %mul3A_203 : i32
      %add3A_205 = arith.constant 1 : i32
      %add3A_206 = arith.addi %mul3A_204, %add3A_205 : i32
      %mul3A_207 = arith.constant 40 : i32
      %mul3A_208 = arith.muli %add3A_206, %mul3A_207 : i32
      %dma_wait3A_209 = tpu.memref_slice %arg5[%mul3A_208] : memref<6400xi32, #tpu.memory_space<vmem>> -> memref<40xi32, #tpu.memory_space<vmem>>
      %dma_wait3A_210 = arith.constant 0 : i32
      %dma_wait3A_211 = arith.constant 0 : i32
      %dma_wait3A_212 = tpu.memref_slice %arg2[%dma_wait3A_210, %dma_wait3A_211] : memref<100000x128xf32, #tpu.memory_space<hbm>> -> memref<100000x128xf32, #tpu.memory_space<hbm>>
      tpu.wait_indirect_dma semaphore(%arg15 : memref<!tpu.dma_semaphore, #tpu.memory_space<semaphore_mem>>) src(%dma_wait3A_212 : memref<100000x128xf32, #tpu.memory_space<hbm>>) dst(%arg7 : memref<40x128xf32, #tpu.memory_space<vmem>>)
      %mul3A_213 = arith.constant 40 : i32
      %mul3A_214 = arith.muli %add3A_206, %mul3A_213 : i32
      %add3A_215 = arith.addi %mul3A_2, %mul3A_214 : i32
      %dma_start3A_216 = arith.constant 0 : i32
      %dma_start3A_217 = tpu.memref_slice %arg4[%add3A_215, %dma_start3A_216] : memref<204800x128xf32, #tpu.memory_space<hbm>> -> memref<40x128xf32, #tpu.memory_space<hbm>>
      %dma_start3A_218 = arith.constant 0 : i32
      %dma_start3A_219 = tpu.memref_slice %arg4[%add3A_215, %dma_start3A_218] : memref<204800x128xf32, #tpu.memory_space<hbm>> -> memref<40x128xf32, #tpu.memory_space<hbm>>
      tpu.enqueue_dma source(%arg7 : memref<40x128xf32, #tpu.memory_space<vmem>>) target(%dma_start3A_219 : memref<40x128xf32, #tpu.memory_space<hbm>>) target_semaphore(%arg23 : memref<!tpu.dma_semaphore, #tpu.memory_space<semaphore_mem>>)
      %mul3A_220 = arith.constant 8 : i32
      %mul3A_221 = arith.muli %add3A_185, %mul3A_220 : i32
      %add3A_222 = arith.constant 2 : i32
      %add3A_223 = arith.addi %mul3A_221, %add3A_222 : i32
      %mul3A_224 = arith.constant 40 : i32
      %mul3A_225 = arith.muli %add3A_223, %mul3A_224 : i32
      %dma_wait3A_226 = tpu.memref_slice %arg5[%mul3A_225] : memref<6400xi32, #tpu.memory_space<vmem>> -> memref<40xi32, #tpu.memory_space<vmem>>
      %dma_wait3A_227 = arith.constant 0 : i32
      %dma_wait3A_228 = arith.constant 0 : i32
      %dma_wait3A_229 = tpu.memref_slice %arg2[%dma_wait3A_227, %dma_wait3A_228] : memref<100000x128xf32, #tpu.memory_space<hbm>> -> memref<100000x128xf32, #tpu.memory_space<hbm>>
      tpu.wait_indirect_dma semaphore(%arg16 : memref<!tpu.dma_semaphore, #tpu.memory_space<semaphore_mem>>) src(%dma_wait3A_229 : memref<100000x128xf32, #tpu.memory_space<hbm>>) dst(%arg8 : memref<40x128xf32, #tpu.memory_space<vmem>>)
      %mul3A_230 = arith.constant 40 : i32
      %mul3A_231 = arith.muli %add3A_223, %mul3A_230 : i32
      %add3A_232 = arith.addi %mul3A_2, %mul3A_231 : i32
      %dma_start3A_233 = arith.constant 0 : i32
      %dma_start3A_234 = tpu.memref_slice %arg4[%add3A_232, %dma_start3A_233] : memref<204800x128xf32, #tpu.memory_space<hbm>> -> memref<40x128xf32, #tpu.memory_space<hbm>>
      %dma_start3A_235 = arith.constant 0 : i32
      %dma_start3A_236 = tpu.memref_slice %arg4[%add3A_232, %dma_start3A_235] : memref<204800x128xf32, #tpu.memory_space<hbm>> -> memref<40x128xf32, #tpu.memory_space<hbm>>
      tpu.enqueue_dma source(%arg8 : memref<40x128xf32, #tpu.memory_space<vmem>>) target(%dma_start3A_236 : memref<40x128xf32, #tpu.memory_space<hbm>>) target_semaphore(%arg24 : memref<!tpu.dma_semaphore, #tpu.memory_space<semaphore_mem>>)
      %mul3A_237 = arith.constant 8 : i32
      %mul3A_238 = arith.muli %add3A_185, %mul3A_237 : i32
      %add3A_239 = arith.constant 3 : i32
      %add3A_240 = arith.addi %mul3A_238, %add3A_239 : i32
      %mul3A_241 = arith.constant 40 : i32
      %mul3A_242 = arith.muli %add3A_240, %mul3A_241 : i32
      %dma_wait3A_243 = tpu.memref_slice %arg5[%mul3A_242] : memref<6400xi32, #tpu.memory_space<vmem>> -> memref<40xi32, #tpu.memory_space<vmem>>
      %dma_wait3A_244 = arith.constant 0 : i32
      %dma_wait3A_245 = arith.constant 0 : i32
      %dma_wait3A_246 = tpu.memref_slice %arg2[%dma_wait3A_244, %dma_wait3A_245] : memref<100000x128xf32, #tpu.memory_space<hbm>> -> memref<100000x128xf32, #tpu.memory_space<hbm>>
      tpu.wait_indirect_dma semaphore(%arg17 : memref<!tpu.dma_semaphore, #tpu.memory_space<semaphore_mem>>) src(%dma_wait3A_246 : memref<100000x128xf32, #tpu.memory_space<hbm>>) dst(%arg9 : memref<40x128xf32, #tpu.memory_space<vmem>>)
      %mul3A_247 = arith.constant 40 : i32
      %mul3A_248 = arith.muli %add3A_240, %mul3A_247 : i32
      %add3A_249 = arith.addi %mul3A_2, %mul3A_248 : i32
      %dma_start3A_250 = arith.constant 0 : i32
      %dma_start3A_251 = tpu.memref_slice %arg4[%add3A_249, %dma_start3A_250] : memref<204800x128xf32, #tpu.memory_space<hbm>> -> memref<40x128xf32, #tpu.memory_space<hbm>>
      %dma_start3A_252 = arith.constant 0 : i32
      %dma_start3A_253 = tpu.memref_slice %arg4[%add3A_249, %dma_start3A_252] : memref<204800x128xf32, #tpu.memory_space<hbm>> -> memref<40x128xf32, #tpu.memory_space<hbm>>
      tpu.enqueue_dma source(%arg9 : memref<40x128xf32, #tpu.memory_space<vmem>>) target(%dma_start3A_253 : memref<40x128xf32, #tpu.memory_space<hbm>>) target_semaphore(%arg25 : memref<!tpu.dma_semaphore, #tpu.memory_space<semaphore_mem>>)
      %mul3A_254 = arith.constant 8 : i32
      %mul3A_255 = arith.muli %add3A_185, %mul3A_254 : i32
      %add3A_256 = arith.constant 4 : i32
      %add3A_257 = arith.addi %mul3A_255, %add3A_256 : i32
      %mul3A_258 = arith.constant 40 : i32
      %mul3A_259 = arith.muli %add3A_257, %mul3A_258 : i32
      %dma_wait3A_260 = tpu.memref_slice %arg5[%mul3A_259] : memref<6400xi32, #tpu.memory_space<vmem>> -> memref<40xi32, #tpu.memory_space<vmem>>
      %dma_wait3A_261 = arith.constant 0 : i32
      %dma_wait3A_262 = arith.constant 0 : i32
      %dma_wait3A_263 = tpu.memref_slice %arg2[%dma_wait3A_261, %dma_wait3A_262] : memref<100000x128xf32, #tpu.memory_space<hbm>> -> memref<100000x128xf32, #tpu.memory_space<hbm>>
      tpu.wait_indirect_dma semaphore(%arg18 : memref<!tpu.dma_semaphore, #tpu.memory_space<semaphore_mem>>) src(%dma_wait3A_263 : memref<100000x128xf32, #tpu.memory_space<hbm>>) dst(%arg10 : memref<40x128xf32, #tpu.memory_space<vmem>>)
      %mul3A_264 = arith.constant 40 : i32
      %mul3A_265 = arith.muli %add3A_257, %mul3A_264 : i32
      %add3A_266 = arith.addi %mul3A_2, %mul3A_265 : i32
      %dma_start3A_267 = arith.constant 0 : i32
      %dma_start3A_268 = tpu.memref_slice %arg4[%add3A_266, %dma_start3A_267] : memref<204800x128xf32, #tpu.memory_space<hbm>> -> memref<40x128xf32, #tpu.memory_space<hbm>>
      %dma_start3A_269 = arith.constant 0 : i32
      %dma_start3A_270 = tpu.memref_slice %arg4[%add3A_266, %dma_start3A_269] : memref<204800x128xf32, #tpu.memory_space<hbm>> -> memref<40x128xf32, #tpu.memory_space<hbm>>
      tpu.enqueue_dma source(%arg10 : memref<40x128xf32, #tpu.memory_space<vmem>>) target(%dma_start3A_270 : memref<40x128xf32, #tpu.memory_space<hbm>>) target_semaphore(%arg26 : memref<!tpu.dma_semaphore, #tpu.memory_space<semaphore_mem>>)
      %mul3A_271 = arith.constant 8 : i32
      %mul3A_272 = arith.muli %add3A_185, %mul3A_271 : i32
      %add3A_273 = arith.constant 5 : i32
      %add3A_274 = arith.addi %mul3A_272, %add3A_273 : i32
      %mul3A_275 = arith.constant 40 : i32
      %mul3A_276 = arith.muli %add3A_274, %mul3A_275 : i32
      %dma_wait3A_277 = tpu.memref_slice %arg5[%mul3A_276] : memref<6400xi32, #tpu.memory_space<vmem>> -> memref<40xi32, #tpu.memory_space<vmem>>
      %dma_wait3A_278 = arith.constant 0 : i32
      %dma_wait3A_279 = arith.constant 0 : i32
      %dma_wait3A_280 = tpu.memref_slice %arg2[%dma_wait3A_278, %dma_wait3A_279] : memref<100000x128xf32, #tpu.memory_space<hbm>> -> memref<100000x128xf32, #tpu.memory_space<hbm>>
      tpu.wait_indirect_dma semaphore(%arg19 : memref<!tpu.dma_semaphore, #tpu.memory_space<semaphore_mem>>) src(%dma_wait3A_280 : memref<100000x128xf32, #tpu.memory_space<hbm>>) dst(%arg11 : memref<40x128xf32, #tpu.memory_space<vmem>>)
      %mul3A_281 = arith.constant 40 : i32
      %mul3A_282 = arith.muli %add3A_274, %mul3A_281 : i32
      %add3A_283 = arith.addi %mul3A_2, %mul3A_282 : i32
      %dma_start3A_284 = arith.constant 0 : i32
      %dma_start3A_285 = tpu.memref_slice %arg4[%add3A_283, %dma_start3A_284] : memref<204800x128xf32, #tpu.memory_space<hbm>> -> memref<40x128xf32, #tpu.memory_space<hbm>>
      %dma_start3A_286 = arith.constant 0 : i32
      %dma_start3A_287 = tpu.memref_slice %arg4[%add3A_283, %dma_start3A_286] : memref<204800x128xf32, #tpu.memory_space<hbm>> -> memref<40x128xf32, #tpu.memory_space<hbm>>
      tpu.enqueue_dma source(%arg11 : memref<40x128xf32, #tpu.memory_space<vmem>>) target(%dma_start3A_287 : memref<40x128xf32, #tpu.memory_space<hbm>>) target_semaphore(%arg27 : memref<!tpu.dma_semaphore, #tpu.memory_space<semaphore_mem>>)
      %mul3A_288 = arith.constant 8 : i32
      %mul3A_289 = arith.muli %add3A_185, %mul3A_288 : i32
      %add3A_290 = arith.constant 6 : i32
      %add3A_291 = arith.addi %mul3A_289, %add3A_290 : i32
      %mul3A_292 = arith.constant 40 : i32
      %mul3A_293 = arith.muli %add3A_291, %mul3A_292 : i32
      %dma_wait3A_294 = tpu.memref_slice %arg5[%mul3A_293] : memref<6400xi32, #tpu.memory_space<vmem>> -> memref<40xi32, #tpu.memory_space<vmem>>
      %dma_wait3A_295 = arith.constant 0 : i32
      %dma_wait3A_296 = arith.constant 0 : i32
      %dma_wait3A_297 = tpu.memref_slice %arg2[%dma_wait3A_295, %dma_wait3A_296] : memref<100000x128xf32, #tpu.memory_space<hbm>> -> memref<100000x128xf32, #tpu.memory_space<hbm>>
      tpu.wait_indirect_dma semaphore(%arg20 : memref<!tpu.dma_semaphore, #tpu.memory_space<semaphore_mem>>) src(%dma_wait3A_297 : memref<100000x128xf32, #tpu.memory_space<hbm>>) dst(%arg12 : memref<40x128xf32, #tpu.memory_space<vmem>>)
      %mul3A_298 = arith.constant 40 : i32
      %mul3A_299 = arith.muli %add3A_291, %mul3A_298 : i32
      %add3A_300 = arith.addi %mul3A_2, %mul3A_299 : i32
      %dma_start3A_301 = arith.constant 0 : i32
      %dma_start3A_302 = tpu.memref_slice %arg4[%add3A_300, %dma_start3A_301] : memref<204800x128xf32, #tpu.memory_space<hbm>> -> memref<40x128xf32, #tpu.memory_space<hbm>>
      %dma_start3A_303 = arith.constant 0 : i32
      %dma_start3A_304 = tpu.memref_slice %arg4[%add3A_300, %dma_start3A_303] : memref<204800x128xf32, #tpu.memory_space<hbm>> -> memref<40x128xf32, #tpu.memory_space<hbm>>
      tpu.enqueue_dma source(%arg12 : memref<40x128xf32, #tpu.memory_space<vmem>>) target(%dma_start3A_304 : memref<40x128xf32, #tpu.memory_space<hbm>>) target_semaphore(%arg28 : memref<!tpu.dma_semaphore, #tpu.memory_space<semaphore_mem>>)
      %mul3A_305 = arith.constant 8 : i32
      %mul3A_306 = arith.muli %add3A_185, %mul3A_305 : i32
      %add3A_307 = arith.constant 7 : i32
      %add3A_308 = arith.addi %mul3A_306, %add3A_307 : i32
      %mul3A_309 = arith.constant 40 : i32
      %mul3A_310 = arith.muli %add3A_308, %mul3A_309 : i32
      %dma_wait3A_311 = tpu.memref_slice %arg5[%mul3A_310] : memref<6400xi32, #tpu.memory_space<vmem>> -> memref<40xi32, #tpu.memory_space<vmem>>
      %dma_wait3A_312 = arith.constant 0 : i32
      %dma_wait3A_313 = arith.constant 0 : i32
      %dma_wait3A_314 = tpu.memref_slice %arg2[%dma_wait3A_312, %dma_wait3A_313] : memref<100000x128xf32, #tpu.memory_space<hbm>> -> memref<100000x128xf32, #tpu.memory_space<hbm>>
      tpu.wait_indirect_dma semaphore(%arg21 : memref<!tpu.dma_semaphore, #tpu.memory_space<semaphore_mem>>) src(%dma_wait3A_314 : memref<100000x128xf32, #tpu.memory_space<hbm>>) dst(%arg13 : memref<40x128xf32, #tpu.memory_space<vmem>>)
      %mul3A_315 = arith.constant 40 : i32
      %mul3A_316 = arith.muli %add3A_308, %mul3A_315 : i32
      %add3A_317 = arith.addi %mul3A_2, %mul3A_316 : i32
      %dma_start3A_318 = arith.constant 0 : i32
      %dma_start3A_319 = tpu.memref_slice %arg4[%add3A_317, %dma_start3A_318] : memref<204800x128xf32, #tpu.memory_space<hbm>> -> memref<40x128xf32, #tpu.memory_space<hbm>>
      %dma_start3A_320 = arith.constant 0 : i32
      %dma_start3A_321 = tpu.memref_slice %arg4[%add3A_317, %dma_start3A_320] : memref<204800x128xf32, #tpu.memory_space<hbm>> -> memref<40x128xf32, #tpu.memory_space<hbm>>
      tpu.enqueue_dma source(%arg13 : memref<40x128xf32, #tpu.memory_space<vmem>>) target(%dma_start3A_321 : memref<40x128xf32, #tpu.memory_space<hbm>>) target_semaphore(%arg29 : memref<!tpu.dma_semaphore, #tpu.memory_space<semaphore_mem>>)
      %mul3A_322 = arith.constant 8 : i32
      %mul3A_323 = arith.muli %add3A_185, %mul3A_322 : i32
      %add3A_324 = arith.constant 0 : i32
      %add3A_325 = arith.addi %mul3A_323, %add3A_324 : i32
      %mul3A_326 = arith.constant 40 : i32
      %mul3A_327 = arith.muli %add3A_325, %mul3A_326 : i32
      %add3A_328 = arith.addi %mul3A_2, %mul3A_327 : i32
      %dma_wait3A_329 = arith.constant 0 : i32
      %dma_wait3A_330 = tpu.memref_slice %arg4[%add3A_328, %dma_wait3A_329] : memref<204800x128xf32, #tpu.memory_space<hbm>> -> memref<40x128xf32, #tpu.memory_space<hbm>>
      %dma_wait3A_331 = arith.constant 0 : i32
      %dma_wait3A_332 = tpu.memref_slice %arg4[%add3A_328, %dma_wait3A_331] : memref<204800x128xf32, #tpu.memory_space<hbm>> -> memref<40x128xf32, #tpu.memory_space<hbm>>
      tpu.wait_dma2 semaphore(%arg22 : memref<!tpu.dma_semaphore, #tpu.memory_space<semaphore_mem>>) src(%arg6 : memref<40x128xf32, #tpu.memory_space<vmem>>) dst(%dma_wait3A_332 : memref<40x128xf32, #tpu.memory_space<hbm>>)
      %add3A_333 = arith.constant 8 : i32
      %add3A_334 = arith.addi %add3A_325, %add3A_333 : i32
      %mul3A_335 = arith.constant 40 : i32
      %mul3A_336 = arith.muli %add3A_334, %mul3A_335 : i32
      %dma_start3A_337 = tpu.memref_slice %arg5[%mul3A_336] : memref<6400xi32, #tpu.memory_space<vmem>> -> memref<40xi32, #tpu.memory_space<vmem>>
      %dma_start3A_338 = arith.constant 0 : i32
      %dma_start3A_339 = arith.constant 0 : i32
      %dma_start3A_340 = tpu.memref_slice %arg2[%dma_start3A_338, %dma_start3A_339] : memref<100000x128xf32, #tpu.memory_space<hbm>> -> memref<100000x128xf32, #tpu.memory_space<hbm>>
      tpu.enqueue_indirect_dma source(%dma_start3A_340 : memref<100000x128xf32, #tpu.memory_space<hbm>>) target(%arg6 : memref<40x128xf32, #tpu.memory_space<vmem>>) offsets(%dma_start3A_337 : memref<40xi32, #tpu.memory_space<vmem>>) semaphore(%arg14 : memref<!tpu.dma_semaphore, #tpu.memory_space<semaphore_mem>>)
      %mul3A_341 = arith.constant 8 : i32
      %mul3A_342 = arith.muli %add3A_185, %mul3A_341 : i32
      %add3A_343 = arith.constant 1 : i32
      %add3A_344 = arith.addi %mul3A_342, %add3A_343 : i32
      %mul3A_345 = arith.constant 40 : i32
      %mul3A_346 = arith.muli %add3A_344, %mul3A_345 : i32
      %add3A_347 = arith.addi %mul3A_2, %mul3A_346 : i32
      %dma_wait3A_348 = arith.constant 0 : i32
      %dma_wait3A_349 = tpu.memref_slice %arg4[%add3A_347, %dma_wait3A_348] : memref<204800x128xf32, #tpu.memory_space<hbm>> -> memref<40x128xf32, #tpu.memory_space<hbm>>
      %dma_wait3A_350 = arith.constant 0 : i32
      %dma_wait3A_351 = tpu.memref_slice %arg4[%add3A_347, %dma_wait3A_350] : memref<204800x128xf32, #tpu.memory_space<hbm>> -> memref<40x128xf32, #tpu.memory_space<hbm>>
      tpu.wait_dma2 semaphore(%arg23 : memref<!tpu.dma_semaphore, #tpu.memory_space<semaphore_mem>>) src(%arg7 : memref<40x128xf32, #tpu.memory_space<vmem>>) dst(%dma_wait3A_351 : memref<40x128xf32, #tpu.memory_space<hbm>>)
      %add3A_352 = arith.constant 8 : i32
      %add3A_353 = arith.addi %add3A_344, %add3A_352 : i32
      %mul3A_354 = arith.constant 40 : i32
      %mul3A_355 = arith.muli %add3A_353, %mul3A_354 : i32
      %dma_start3A_356 = tpu.memref_slice %arg5[%mul3A_355] : memref<6400xi32, #tpu.memory_space<vmem>> -> memref<40xi32, #tpu.memory_space<vmem>>
      %dma_start3A_357 = arith.constant 0 : i32
      %dma_start3A_358 = arith.constant 0 : i32
      %dma_start3A_359 = tpu.memref_slice %arg2[%dma_start3A_357, %dma_start3A_358] : memref<100000x128xf32, #tpu.memory_space<hbm>> -> memref<100000x128xf32, #tpu.memory_space<hbm>>
      tpu.enqueue_indirect_dma source(%dma_start3A_359 : memref<100000x128xf32, #tpu.memory_space<hbm>>) target(%arg7 : memref<40x128xf32, #tpu.memory_space<vmem>>) offsets(%dma_start3A_356 : memref<40xi32, #tpu.memory_space<vmem>>) semaphore(%arg15 : memref<!tpu.dma_semaphore, #tpu.memory_space<semaphore_mem>>)
      %mul3A_360 = arith.constant 8 : i32
      %mul3A_361 = arith.muli %add3A_185, %mul3A_360 : i32
      %add3A_362 = arith.constant 2 : i32
      %add3A_363 = arith.addi %mul3A_361, %add3A_362 : i32
      %mul3A_364 = arith.constant 40 : i32
      %mul3A_365 = arith.muli %add3A_363, %mul3A_364 : i32
      %add3A_366 = arith.addi %mul3A_2, %mul3A_365 : i32
      %dma_wait3A_367 = arith.constant 0 : i32
      %dma_wait3A_368 = tpu.memref_slice %arg4[%add3A_366, %dma_wait3A_367] : memref<204800x128xf32, #tpu.memory_space<hbm>> -> memref<40x128xf32, #tpu.memory_space<hbm>>
      %dma_wait3A_369 = arith.constant 0 : i32
      %dma_wait3A_370 = tpu.memref_slice %arg4[%add3A_366, %dma_wait3A_369] : memref<204800x128xf32, #tpu.memory_space<hbm>> -> memref<40x128xf32, #tpu.memory_space<hbm>>
      tpu.wait_dma2 semaphore(%arg24 : memref<!tpu.dma_semaphore, #tpu.memory_space<semaphore_mem>>) src(%arg8 : memref<40x128xf32, #tpu.memory_space<vmem>>) dst(%dma_wait3A_370 : memref<40x128xf32, #tpu.memory_space<hbm>>)
      %add3A_371 = arith.constant 8 : i32
      %add3A_372 = arith.addi %add3A_363, %add3A_371 : i32
      %mul3A_373 = arith.constant 40 : i32
      %mul3A_374 = arith.muli %add3A_372, %mul3A_373 : i32
      %dma_start3A_375 = tpu.memref_slice %arg5[%mul3A_374] : memref<6400xi32, #tpu.memory_space<vmem>> -> memref<40xi32, #tpu.memory_space<vmem>>
      %dma_start3A_376 = arith.constant 0 : i32
      %dma_start3A_377 = arith.constant 0 : i32
      %dma_start3A_378 = tpu.memref_slice %arg2[%dma_start3A_376, %dma_start3A_377] : memref<100000x128xf32, #tpu.memory_space<hbm>> -> memref<100000x128xf32, #tpu.memory_space<hbm>>
      tpu.enqueue_indirect_dma source(%dma_start3A_378 : memref<100000x128xf32, #tpu.memory_space<hbm>>) target(%arg8 : memref<40x128xf32, #tpu.memory_space<vmem>>) offsets(%dma_start3A_375 : memref<40xi32, #tpu.memory_space<vmem>>) semaphore(%arg16 : memref<!tpu.dma_semaphore, #tpu.memory_space<semaphore_mem>>)
      %mul3A_379 = arith.constant 8 : i32
      %mul3A_380 = arith.muli %add3A_185, %mul3A_379 : i32
      %add3A_381 = arith.constant 3 : i32
      %add3A_382 = arith.addi %mul3A_380, %add3A_381 : i32
      %mul3A_383 = arith.constant 40 : i32
      %mul3A_384 = arith.muli %add3A_382, %mul3A_383 : i32
      %add3A_385 = arith.addi %mul3A_2, %mul3A_384 : i32
      %dma_wait3A_386 = arith.constant 0 : i32
      %dma_wait3A_387 = tpu.memref_slice %arg4[%add3A_385, %dma_wait3A_386] : memref<204800x128xf32, #tpu.memory_space<hbm>> -> memref<40x128xf32, #tpu.memory_space<hbm>>
      %dma_wait3A_388 = arith.constant 0 : i32
      %dma_wait3A_389 = tpu.memref_slice %arg4[%add3A_385, %dma_wait3A_388] : memref<204800x128xf32, #tpu.memory_space<hbm>> -> memref<40x128xf32, #tpu.memory_space<hbm>>
      tpu.wait_dma2 semaphore(%arg25 : memref<!tpu.dma_semaphore, #tpu.memory_space<semaphore_mem>>) src(%arg9 : memref<40x128xf32, #tpu.memory_space<vmem>>) dst(%dma_wait3A_389 : memref<40x128xf32, #tpu.memory_space<hbm>>)
      %add3A_390 = arith.constant 8 : i32
      %add3A_391 = arith.addi %add3A_382, %add3A_390 : i32
      %mul3A_392 = arith.constant 40 : i32
      %mul3A_393 = arith.muli %add3A_391, %mul3A_392 : i32
      %dma_start3A_394 = tpu.memref_slice %arg5[%mul3A_393] : memref<6400xi32, #tpu.memory_space<vmem>> -> memref<40xi32, #tpu.memory_space<vmem>>
      %dma_start3A_395 = arith.constant 0 : i32
      %dma_start3A_396 = arith.constant 0 : i32
      %dma_start3A_397 = tpu.memref_slice %arg2[%dma_start3A_395, %dma_start3A_396] : memref<100000x128xf32, #tpu.memory_space<hbm>> -> memref<100000x128xf32, #tpu.memory_space<hbm>>
      tpu.enqueue_indirect_dma source(%dma_start3A_397 : memref<100000x128xf32, #tpu.memory_space<hbm>>) target(%arg9 : memref<40x128xf32, #tpu.memory_space<vmem>>) offsets(%dma_start3A_394 : memref<40xi32, #tpu.memory_space<vmem>>) semaphore(%arg17 : memref<!tpu.dma_semaphore, #tpu.memory_space<semaphore_mem>>)
      %mul3A_398 = arith.constant 8 : i32
      %mul3A_399 = arith.muli %add3A_185, %mul3A_398 : i32
      %add3A_400 = arith.constant 4 : i32
      %add3A_401 = arith.addi %mul3A_399, %add3A_400 : i32
      %mul3A_402 = arith.constant 40 : i32
      %mul3A_403 = arith.muli %add3A_401, %mul3A_402 : i32
      %add3A_404 = arith.addi %mul3A_2, %mul3A_403 : i32
      %dma_wait3A_405 = arith.constant 0 : i32
      %dma_wait3A_406 = tpu.memref_slice %arg4[%add3A_404, %dma_wait3A_405] : memref<204800x128xf32, #tpu.memory_space<hbm>> -> memref<40x128xf32, #tpu.memory_space<hbm>>
      %dma_wait3A_407 = arith.constant 0 : i32
      %dma_wait3A_408 = tpu.memref_slice %arg4[%add3A_404, %dma_wait3A_407] : memref<204800x128xf32, #tpu.memory_space<hbm>> -> memref<40x128xf32, #tpu.memory_space<hbm>>
      tpu.wait_dma2 semaphore(%arg26 : memref<!tpu.dma_semaphore, #tpu.memory_space<semaphore_mem>>) src(%arg10 : memref<40x128xf32, #tpu.memory_space<vmem>>) dst(%dma_wait3A_408 : memref<40x128xf32, #tpu.memory_space<hbm>>)
      %add3A_409 = arith.constant 8 : i32
      %add3A_410 = arith.addi %add3A_401, %add3A_409 : i32
      %mul3A_411 = arith.constant 40 : i32
      %mul3A_412 = arith.muli %add3A_410, %mul3A_411 : i32
      %dma_start3A_413 = tpu.memref_slice %arg5[%mul3A_412] : memref<6400xi32, #tpu.memory_space<vmem>> -> memref<40xi32, #tpu.memory_space<vmem>>
      %dma_start3A_414 = arith.constant 0 : i32
      %dma_start3A_415 = arith.constant 0 : i32
      %dma_start3A_416 = tpu.memref_slice %arg2[%dma_start3A_414, %dma_start3A_415] : memref<100000x128xf32, #tpu.memory_space<hbm>> -> memref<100000x128xf32, #tpu.memory_space<hbm>>
      tpu.enqueue_indirect_dma source(%dma_start3A_416 : memref<100000x128xf32, #tpu.memory_space<hbm>>) target(%arg10 : memref<40x128xf32, #tpu.memory_space<vmem>>) offsets(%dma_start3A_413 : memref<40xi32, #tpu.memory_space<vmem>>) semaphore(%arg18 : memref<!tpu.dma_semaphore, #tpu.memory_space<semaphore_mem>>)
      %mul3A_417 = arith.constant 8 : i32
      %mul3A_418 = arith.muli %add3A_185, %mul3A_417 : i32
      %add3A_419 = arith.constant 5 : i32
      %add3A_420 = arith.addi %mul3A_418, %add3A_419 : i32
      %mul3A_421 = arith.constant 40 : i32
      %mul3A_422 = arith.muli %add3A_420, %mul3A_421 : i32
      %add3A_423 = arith.addi %mul3A_2, %mul3A_422 : i32
      %dma_wait3A_424 = arith.constant 0 : i32
      %dma_wait3A_425 = tpu.memref_slice %arg4[%add3A_423, %dma_wait3A_424] : memref<204800x128xf32, #tpu.memory_space<hbm>> -> memref<40x128xf32, #tpu.memory_space<hbm>>
      %dma_wait3A_426 = arith.constant 0 : i32
      %dma_wait3A_427 = tpu.memref_slice %arg4[%add3A_423, %dma_wait3A_426] : memref<204800x128xf32, #tpu.memory_space<hbm>> -> memref<40x128xf32, #tpu.memory_space<hbm>>
      tpu.wait_dma2 semaphore(%arg27 : memref<!tpu.dma_semaphore, #tpu.memory_space<semaphore_mem>>) src(%arg11 : memref<40x128xf32, #tpu.memory_space<vmem>>) dst(%dma_wait3A_427 : memref<40x128xf32, #tpu.memory_space<hbm>>)
      %add3A_428 = arith.constant 8 : i32
      %add3A_429 = arith.addi %add3A_420, %add3A_428 : i32
      %mul3A_430 = arith.constant 40 : i32
      %mul3A_431 = arith.muli %add3A_429, %mul3A_430 : i32
      %dma_start3A_432 = tpu.memref_slice %arg5[%mul3A_431] : memref<6400xi32, #tpu.memory_space<vmem>> -> memref<40xi32, #tpu.memory_space<vmem>>
      %dma_start3A_433 = arith.constant 0 : i32
      %dma_start3A_434 = arith.constant 0 : i32
      %dma_start3A_435 = tpu.memref_slice %arg2[%dma_start3A_433, %dma_start3A_434] : memref<100000x128xf32, #tpu.memory_space<hbm>> -> memref<100000x128xf32, #tpu.memory_space<hbm>>
      tpu.enqueue_indirect_dma source(%dma_start3A_435 : memref<100000x128xf32, #tpu.memory_space<hbm>>) target(%arg11 : memref<40x128xf32, #tpu.memory_space<vmem>>) offsets(%dma_start3A_432 : memref<40xi32, #tpu.memory_space<vmem>>) semaphore(%arg19 : memref<!tpu.dma_semaphore, #tpu.memory_space<semaphore_mem>>)
      %mul3A_436 = arith.constant 8 : i32
      %mul3A_437 = arith.muli %add3A_185, %mul3A_436 : i32
      %add3A_438 = arith.constant 6 : i32
      %add3A_439 = arith.addi %mul3A_437, %add3A_438 : i32
      %mul3A_440 = arith.constant 40 : i32
      %mul3A_441 = arith.muli %add3A_439, %mul3A_440 : i32
      %add3A_442 = arith.addi %mul3A_2, %mul3A_441 : i32
      %dma_wait3A_443 = arith.constant 0 : i32
      %dma_wait3A_444 = tpu.memref_slice %arg4[%add3A_442, %dma_wait3A_443] : memref<204800x128xf32, #tpu.memory_space<hbm>> -> memref<40x128xf32, #tpu.memory_space<hbm>>
      %dma_wait3A_445 = arith.constant 0 : i32
      %dma_wait3A_446 = tpu.memref_slice %arg4[%add3A_442, %dma_wait3A_445] : memref<204800x128xf32, #tpu.memory_space<hbm>> -> memref<40x128xf32, #tpu.memory_space<hbm>>
      tpu.wait_dma2 semaphore(%arg28 : memref<!tpu.dma_semaphore, #tpu.memory_space<semaphore_mem>>) src(%arg12 : memref<40x128xf32, #tpu.memory_space<vmem>>) dst(%dma_wait3A_446 : memref<40x128xf32, #tpu.memory_space<hbm>>)
      %add3A_447 = arith.constant 8 : i32
      %add3A_448 = arith.addi %add3A_439, %add3A_447 : i32
      %mul3A_449 = arith.constant 40 : i32
      %mul3A_450 = arith.muli %add3A_448, %mul3A_449 : i32
      %dma_start3A_451 = tpu.memref_slice %arg5[%mul3A_450] : memref<6400xi32, #tpu.memory_space<vmem>> -> memref<40xi32, #tpu.memory_space<vmem>>
      %dma_start3A_452 = arith.constant 0 : i32
      %dma_start3A_453 = arith.constant 0 : i32
      %dma_start3A_454 = tpu.memref_slice %arg2[%dma_start3A_452, %dma_start3A_453] : memref<100000x128xf32, #tpu.memory_space<hbm>> -> memref<100000x128xf32, #tpu.memory_space<hbm>>
      tpu.enqueue_indirect_dma source(%dma_start3A_454 : memref<100000x128xf32, #tpu.memory_space<hbm>>) target(%arg12 : memref<40x128xf32, #tpu.memory_space<vmem>>) offsets(%dma_start3A_451 : memref<40xi32, #tpu.memory_space<vmem>>) semaphore(%arg20 : memref<!tpu.dma_semaphore, #tpu.memory_space<semaphore_mem>>)
      %mul3A_455 = arith.constant 8 : i32
      %mul3A_456 = arith.muli %add3A_185, %mul3A_455 : i32
      %add3A_457 = arith.constant 7 : i32
      %add3A_458 = arith.addi %mul3A_456, %add3A_457 : i32
      %mul3A_459 = arith.constant 40 : i32
      %mul3A_460 = arith.muli %add3A_458, %mul3A_459 : i32
      %add3A_461 = arith.addi %mul3A_2, %mul3A_460 : i32
      %dma_wait3A_462 = arith.constant 0 : i32
      %dma_wait3A_463 = tpu.memref_slice %arg4[%add3A_461, %dma_wait3A_462] : memref<204800x128xf32, #tpu.memory_space<hbm>> -> memref<40x128xf32, #tpu.memory_space<hbm>>
      %dma_wait3A_464 = arith.constant 0 : i32
      %dma_wait3A_465 = tpu.memref_slice %arg4[%add3A_461, %dma_wait3A_464] : memref<204800x128xf32, #tpu.memory_space<hbm>> -> memref<40x128xf32, #tpu.memory_space<hbm>>
      tpu.wait_dma2 semaphore(%arg29 : memref<!tpu.dma_semaphore, #tpu.memory_space<semaphore_mem>>) src(%arg13 : memref<40x128xf32, #tpu.memory_space<vmem>>) dst(%dma_wait3A_465 : memref<40x128xf32, #tpu.memory_space<hbm>>)
      %add3A_466 = arith.constant 8 : i32
      %add3A_467 = arith.addi %add3A_458, %add3A_466 : i32
      %mul3A_468 = arith.constant 40 : i32
      %mul3A_469 = arith.muli %add3A_467, %mul3A_468 : i32
      %dma_start3A_470 = tpu.memref_slice %arg5[%mul3A_469] : memref<6400xi32, #tpu.memory_space<vmem>> -> memref<40xi32, #tpu.memory_space<vmem>>
      %dma_start3A_471 = arith.constant 0 : i32
      %dma_start3A_472 = arith.constant 0 : i32
      %dma_start3A_473 = tpu.memref_slice %arg2[%dma_start3A_471, %dma_start3A_472] : memref<100000x128xf32, #tpu.memory_space<hbm>> -> memref<100000x128xf32, #tpu.memory_space<hbm>>
      tpu.enqueue_indirect_dma source(%dma_start3A_473 : memref<100000x128xf32, #tpu.memory_space<hbm>>) target(%arg13 : memref<40x128xf32, #tpu.memory_space<vmem>>) offsets(%dma_start3A_470 : memref<40xi32, #tpu.memory_space<vmem>>) semaphore(%arg21 : memref<!tpu.dma_semaphore, #tpu.memory_space<semaphore_mem>>)
    }
    %scan3A_45 = arith.constant 19 : i32
    %dma_wait3A = arith.constant 6080 : i32
    %dma_wait3A_46 = tpu.memref_slice %arg5[%dma_wait3A] : memref<6400xi32, #tpu.memory_space<vmem>> -> memref<40xi32, #tpu.memory_space<vmem>>
    %dma_wait3A_47 = arith.constant 0 : i32
    %dma_wait3A_48 = arith.constant 0 : i32
    %dma_wait3A_49 = tpu.memref_slice %arg2[%dma_wait3A_47, %dma_wait3A_48] : memref<100000x128xf32, #tpu.memory_space<hbm>> -> memref<100000x128xf32, #tpu.memory_space<hbm>>
    tpu.wait_indirect_dma semaphore(%arg14 : memref<!tpu.dma_semaphore, #tpu.memory_space<semaphore_mem>>) src(%dma_wait3A_49 : memref<100000x128xf32, #tpu.memory_space<hbm>>) dst(%arg6 : memref<40x128xf32, #tpu.memory_space<vmem>>)
    %add3A_50 = arith.constant 6080 : i32
    %add3A_51 = arith.addi %mul3A_2, %add3A_50 : i32
    %dma_start3A_52 = arith.constant 0 : i32
    %dma_start3A_53 = tpu.memref_slice %arg4[%add3A_51, %dma_start3A_52] : memref<204800x128xf32, #tpu.memory_space<hbm>> -> memref<40x128xf32, #tpu.memory_space<hbm>>
    %dma_start3A_54 = arith.constant 0 : i32
    %dma_start3A_55 = tpu.memref_slice %arg4[%add3A_51, %dma_start3A_54] : memref<204800x128xf32, #tpu.memory_space<hbm>> -> memref<40x128xf32, #tpu.memory_space<hbm>>
    tpu.enqueue_dma source(%arg6 : memref<40x128xf32, #tpu.memory_space<vmem>>) target(%dma_start3A_55 : memref<40x128xf32, #tpu.memory_space<hbm>>) target_semaphore(%arg22 : memref<!tpu.dma_semaphore, #tpu.memory_space<semaphore_mem>>)
    %dma_wait3A_56 = arith.constant 6120 : i32
    %dma_wait3A_57 = tpu.memref_slice %arg5[%dma_wait3A_56] : memref<6400xi32, #tpu.memory_space<vmem>> -> memref<40xi32, #tpu.memory_space<vmem>>
    %dma_wait3A_58 = arith.constant 0 : i32
    %dma_wait3A_59 = arith.constant 0 : i32
    %dma_wait3A_60 = tpu.memref_slice %arg2[%dma_wait3A_58, %dma_wait3A_59] : memref<100000x128xf32, #tpu.memory_space<hbm>> -> memref<100000x128xf32, #tpu.memory_space<hbm>>
    tpu.wait_indirect_dma semaphore(%arg15 : memref<!tpu.dma_semaphore, #tpu.memory_space<semaphore_mem>>) src(%dma_wait3A_60 : memref<100000x128xf32, #tpu.memory_space<hbm>>) dst(%arg7 : memref<40x128xf32, #tpu.memory_space<vmem>>)
    %add3A_61 = arith.constant 6120 : i32
    %add3A_62 = arith.addi %mul3A_2, %add3A_61 : i32
    %dma_start3A_63 = arith.constant 0 : i32
    %dma_start3A_64 = tpu.memref_slice %arg4[%add3A_62, %dma_start3A_63] : memref<204800x128xf32, #tpu.memory_space<hbm>> -> memref<40x128xf32, #tpu.memory_space<hbm>>
    %dma_start3A_65 = arith.constant 0 : i32
    %dma_start3A_66 = tpu.memref_slice %arg4[%add3A_62, %dma_start3A_65] : memref<204800x128xf32, #tpu.memory_space<hbm>> -> memref<40x128xf32, #tpu.memory_space<hbm>>
    tpu.enqueue_dma source(%arg7 : memref<40x128xf32, #tpu.memory_space<vmem>>) target(%dma_start3A_66 : memref<40x128xf32, #tpu.memory_space<hbm>>) target_semaphore(%arg23 : memref<!tpu.dma_semaphore, #tpu.memory_space<semaphore_mem>>)
    %dma_wait3A_67 = arith.constant 6160 : i32
    %dma_wait3A_68 = tpu.memref_slice %arg5[%dma_wait3A_67] : memref<6400xi32, #tpu.memory_space<vmem>> -> memref<40xi32, #tpu.memory_space<vmem>>
    %dma_wait3A_69 = arith.constant 0 : i32
    %dma_wait3A_70 = arith.constant 0 : i32
    %dma_wait3A_71 = tpu.memref_slice %arg2[%dma_wait3A_69, %dma_wait3A_70] : memref<100000x128xf32, #tpu.memory_space<hbm>> -> memref<100000x128xf32, #tpu.memory_space<hbm>>
    tpu.wait_indirect_dma semaphore(%arg16 : memref<!tpu.dma_semaphore, #tpu.memory_space<semaphore_mem>>) src(%dma_wait3A_71 : memref<100000x128xf32, #tpu.memory_space<hbm>>) dst(%arg8 : memref<40x128xf32, #tpu.memory_space<vmem>>)
    %add3A_72 = arith.constant 6160 : i32
    %add3A_73 = arith.addi %mul3A_2, %add3A_72 : i32
    %dma_start3A_74 = arith.constant 0 : i32
    %dma_start3A_75 = tpu.memref_slice %arg4[%add3A_73, %dma_start3A_74] : memref<204800x128xf32, #tpu.memory_space<hbm>> -> memref<40x128xf32, #tpu.memory_space<hbm>>
    %dma_start3A_76 = arith.constant 0 : i32
    %dma_start3A_77 = tpu.memref_slice %arg4[%add3A_73, %dma_start3A_76] : memref<204800x128xf32, #tpu.memory_space<hbm>> -> memref<40x128xf32, #tpu.memory_space<hbm>>
    tpu.enqueue_dma source(%arg8 : memref<40x128xf32, #tpu.memory_space<vmem>>) target(%dma_start3A_77 : memref<40x128xf32, #tpu.memory_space<hbm>>) target_semaphore(%arg24 : memref<!tpu.dma_semaphore, #tpu.memory_space<semaphore_mem>>)
    %dma_wait3A_78 = arith.constant 6200 : i32
    %dma_wait3A_79 = tpu.memref_slice %arg5[%dma_wait3A_78] : memref<6400xi32, #tpu.memory_space<vmem>> -> memref<40xi32, #tpu.memory_space<vmem>>
    %dma_wait3A_80 = arith.constant 0 : i32
    %dma_wait3A_81 = arith.constant 0 : i32
    %dma_wait3A_82 = tpu.memref_slice %arg2[%dma_wait3A_80, %dma_wait3A_81] : memref<100000x128xf32, #tpu.memory_space<hbm>> -> memref<100000x128xf32, #tpu.memory_space<hbm>>
    tpu.wait_indirect_dma semaphore(%arg17 : memref<!tpu.dma_semaphore, #tpu.memory_space<semaphore_mem>>) src(%dma_wait3A_82 : memref<100000x128xf32, #tpu.memory_space<hbm>>) dst(%arg9 : memref<40x128xf32, #tpu.memory_space<vmem>>)
    %add3A_83 = arith.constant 6200 : i32
    %add3A_84 = arith.addi %mul3A_2, %add3A_83 : i32
    %dma_start3A_85 = arith.constant 0 : i32
    %dma_start3A_86 = tpu.memref_slice %arg4[%add3A_84, %dma_start3A_85] : memref<204800x128xf32, #tpu.memory_space<hbm>> -> memref<40x128xf32, #tpu.memory_space<hbm>>
    %dma_start3A_87 = arith.constant 0 : i32
    %dma_start3A_88 = tpu.memref_slice %arg4[%add3A_84, %dma_start3A_87] : memref<204800x128xf32, #tpu.memory_space<hbm>> -> memref<40x128xf32, #tpu.memory_space<hbm>>
    tpu.enqueue_dma source(%arg9 : memref<40x128xf32, #tpu.memory_space<vmem>>) target(%dma_start3A_88 : memref<40x128xf32, #tpu.memory_space<hbm>>) target_semaphore(%arg25 : memref<!tpu.dma_semaphore, #tpu.memory_space<semaphore_mem>>)
    %dma_wait3A_89 = arith.constant 6240 : i32
    %dma_wait3A_90 = tpu.memref_slice %arg5[%dma_wait3A_89] : memref<6400xi32, #tpu.memory_space<vmem>> -> memref<40xi32, #tpu.memory_space<vmem>>
    %dma_wait3A_91 = arith.constant 0 : i32
    %dma_wait3A_92 = arith.constant 0 : i32
    %dma_wait3A_93 = tpu.memref_slice %arg2[%dma_wait3A_91, %dma_wait3A_92] : memref<100000x128xf32, #tpu.memory_space<hbm>> -> memref<100000x128xf32, #tpu.memory_space<hbm>>
    tpu.wait_indirect_dma semaphore(%arg18 : memref<!tpu.dma_semaphore, #tpu.memory_space<semaphore_mem>>) src(%dma_wait3A_93 : memref<100000x128xf32, #tpu.memory_space<hbm>>) dst(%arg10 : memref<40x128xf32, #tpu.memory_space<vmem>>)
    %add3A_94 = arith.constant 6240 : i32
    %add3A_95 = arith.addi %mul3A_2, %add3A_94 : i32
    %dma_start3A_96 = arith.constant 0 : i32
    %dma_start3A_97 = tpu.memref_slice %arg4[%add3A_95, %dma_start3A_96] : memref<204800x128xf32, #tpu.memory_space<hbm>> -> memref<40x128xf32, #tpu.memory_space<hbm>>
    %dma_start3A_98 = arith.constant 0 : i32
    %dma_start3A_99 = tpu.memref_slice %arg4[%add3A_95, %dma_start3A_98] : memref<204800x128xf32, #tpu.memory_space<hbm>> -> memref<40x128xf32, #tpu.memory_space<hbm>>
    tpu.enqueue_dma source(%arg10 : memref<40x128xf32, #tpu.memory_space<vmem>>) target(%dma_start3A_99 : memref<40x128xf32, #tpu.memory_space<hbm>>) target_semaphore(%arg26 : memref<!tpu.dma_semaphore, #tpu.memory_space<semaphore_mem>>)
    %dma_wait3A_100 = arith.constant 6280 : i32
    %dma_wait3A_101 = tpu.memref_slice %arg5[%dma_wait3A_100] : memref<6400xi32, #tpu.memory_space<vmem>> -> memref<40xi32, #tpu.memory_space<vmem>>
    %dma_wait3A_102 = arith.constant 0 : i32
    %dma_wait3A_103 = arith.constant 0 : i32
    %dma_wait3A_104 = tpu.memref_slice %arg2[%dma_wait3A_102, %dma_wait3A_103] : memref<100000x128xf32, #tpu.memory_space<hbm>> -> memref<100000x128xf32, #tpu.memory_space<hbm>>
    tpu.wait_indirect_dma semaphore(%arg19 : memref<!tpu.dma_semaphore, #tpu.memory_space<semaphore_mem>>) src(%dma_wait3A_104 : memref<100000x128xf32, #tpu.memory_space<hbm>>) dst(%arg11 : memref<40x128xf32, #tpu.memory_space<vmem>>)
    %add3A_105 = arith.constant 6280 : i32
    %add3A_106 = arith.addi %mul3A_2, %add3A_105 : i32
    %dma_start3A_107 = arith.constant 0 : i32
    %dma_start3A_108 = tpu.memref_slice %arg4[%add3A_106, %dma_start3A_107] : memref<204800x128xf32, #tpu.memory_space<hbm>> -> memref<40x128xf32, #tpu.memory_space<hbm>>
    %dma_start3A_109 = arith.constant 0 : i32
    %dma_start3A_110 = tpu.memref_slice %arg4[%add3A_106, %dma_start3A_109] : memref<204800x128xf32, #tpu.memory_space<hbm>> -> memref<40x128xf32, #tpu.memory_space<hbm>>
    tpu.enqueue_dma source(%arg11 : memref<40x128xf32, #tpu.memory_space<vmem>>) target(%dma_start3A_110 : memref<40x128xf32, #tpu.memory_space<hbm>>) target_semaphore(%arg27 : memref<!tpu.dma_semaphore, #tpu.memory_space<semaphore_mem>>)
    %dma_wait3A_111 = arith.constant 6320 : i32
    %dma_wait3A_112 = tpu.memref_slice %arg5[%dma_wait3A_111] : memref<6400xi32, #tpu.memory_space<vmem>> -> memref<40xi32, #tpu.memory_space<vmem>>
    %dma_wait3A_113 = arith.constant 0 : i32
    %dma_wait3A_114 = arith.constant 0 : i32
    %dma_wait3A_115 = tpu.memref_slice %arg2[%dma_wait3A_113, %dma_wait3A_114] : memref<100000x128xf32, #tpu.memory_space<hbm>> -> memref<100000x128xf32, #tpu.memory_space<hbm>>
    tpu.wait_indirect_dma semaphore(%arg20 : memref<!tpu.dma_semaphore, #tpu.memory_space<semaphore_mem>>) src(%dma_wait3A_115 : memref<100000x128xf32, #tpu.memory_space<hbm>>) dst(%arg12 : memref<40x128xf32, #tpu.memory_space<vmem>>)
    %add3A_116 = arith.constant 6320 : i32
    %add3A_117 = arith.addi %mul3A_2, %add3A_116 : i32
    %dma_start3A_118 = arith.constant 0 : i32
    %dma_start3A_119 = tpu.memref_slice %arg4[%add3A_117, %dma_start3A_118] : memref<204800x128xf32, #tpu.memory_space<hbm>> -> memref<40x128xf32, #tpu.memory_space<hbm>>
    %dma_start3A_120 = arith.constant 0 : i32
    %dma_start3A_121 = tpu.memref_slice %arg4[%add3A_117, %dma_start3A_120] : memref<204800x128xf32, #tpu.memory_space<hbm>> -> memref<40x128xf32, #tpu.memory_space<hbm>>
    tpu.enqueue_dma source(%arg12 : memref<40x128xf32, #tpu.memory_space<vmem>>) target(%dma_start3A_121 : memref<40x128xf32, #tpu.memory_space<hbm>>) target_semaphore(%arg28 : memref<!tpu.dma_semaphore, #tpu.memory_space<semaphore_mem>>)
    %dma_wait3A_122 = arith.constant 6360 : i32
    %dma_wait3A_123 = tpu.memref_slice %arg5[%dma_wait3A_122] : memref<6400xi32, #tpu.memory_space<vmem>> -> memref<40xi32, #tpu.memory_space<vmem>>
    %dma_wait3A_124 = arith.constant 0 : i32
    %dma_wait3A_125 = arith.constant 0 : i32
    %dma_wait3A_126 = tpu.memref_slice %arg2[%dma_wait3A_124, %dma_wait3A_125] : memref<100000x128xf32, #tpu.memory_space<hbm>> -> memref<100000x128xf32, #tpu.memory_space<hbm>>
    tpu.wait_indirect_dma semaphore(%arg21 : memref<!tpu.dma_semaphore, #tpu.memory_space<semaphore_mem>>) src(%dma_wait3A_126 : memref<100000x128xf32, #tpu.memory_space<hbm>>) dst(%arg13 : memref<40x128xf32, #tpu.memory_space<vmem>>)
    %add3A_127 = arith.constant 6360 : i32
    %add3A_128 = arith.addi %mul3A_2, %add3A_127 : i32
    %dma_start3A_129 = arith.constant 0 : i32
    %dma_start3A_130 = tpu.memref_slice %arg4[%add3A_128, %dma_start3A_129] : memref<204800x128xf32, #tpu.memory_space<hbm>> -> memref<40x128xf32, #tpu.memory_space<hbm>>
    %dma_start3A_131 = arith.constant 0 : i32
    %dma_start3A_132 = tpu.memref_slice %arg4[%add3A_128, %dma_start3A_131] : memref<204800x128xf32, #tpu.memory_space<hbm>> -> memref<40x128xf32, #tpu.memory_space<hbm>>
    tpu.enqueue_dma source(%arg13 : memref<40x128xf32, #tpu.memory_space<vmem>>) target(%dma_start3A_132 : memref<40x128xf32, #tpu.memory_space<hbm>>) target_semaphore(%arg29 : memref<!tpu.dma_semaphore, #tpu.memory_space<semaphore_mem>>)
    %add3A_133 = arith.constant 6080 : i32
    %add3A_134 = arith.addi %mul3A_2, %add3A_133 : i32
    %dma_wait3A_135 = arith.constant 0 : i32
    %dma_wait3A_136 = tpu.memref_slice %arg4[%add3A_134, %dma_wait3A_135] : memref<204800x128xf32, #tpu.memory_space<hbm>> -> memref<40x128xf32, #tpu.memory_space<hbm>>
    %dma_wait3A_137 = arith.constant 0 : i32
    %dma_wait3A_138 = tpu.memref_slice %arg4[%add3A_134, %dma_wait3A_137] : memref<204800x128xf32, #tpu.memory_space<hbm>> -> memref<40x128xf32, #tpu.memory_space<hbm>>
    tpu.wait_dma2 semaphore(%arg22 : memref<!tpu.dma_semaphore, #tpu.memory_space<semaphore_mem>>) src(%arg6 : memref<40x128xf32, #tpu.memory_space<vmem>>) dst(%dma_wait3A_138 : memref<40x128xf32, #tpu.memory_space<hbm>>)
    %add3A_139 = arith.constant 6120 : i32
    %add3A_140 = arith.addi %mul3A_2, %add3A_139 : i32
    %dma_wait3A_141 = arith.constant 0 : i32
    %dma_wait3A_142 = tpu.memref_slice %arg4[%add3A_140, %dma_wait3A_141] : memref<204800x128xf32, #tpu.memory_space<hbm>> -> memref<40x128xf32, #tpu.memory_space<hbm>>
    %dma_wait3A_143 = arith.constant 0 : i32
    %dma_wait3A_144 = tpu.memref_slice %arg4[%add3A_140, %dma_wait3A_143] : memref<204800x128xf32, #tpu.memory_space<hbm>> -> memref<40x128xf32, #tpu.memory_space<hbm>>
    tpu.wait_dma2 semaphore(%arg23 : memref<!tpu.dma_semaphore, #tpu.memory_space<semaphore_mem>>) src(%arg7 : memref<40x128xf32, #tpu.memory_space<vmem>>) dst(%dma_wait3A_144 : memref<40x128xf32, #tpu.memory_space<hbm>>)
    %add3A_145 = arith.constant 6160 : i32
    %add3A_146 = arith.addi %mul3A_2, %add3A_145 : i32
    %dma_wait3A_147 = arith.constant 0 : i32
    %dma_wait3A_148 = tpu.memref_slice %arg4[%add3A_146, %dma_wait3A_147] : memref<204800x128xf32, #tpu.memory_space<hbm>> -> memref<40x128xf32, #tpu.memory_space<hbm>>
    %dma_wait3A_149 = arith.constant 0 : i32
    %dma_wait3A_150 = tpu.memref_slice %arg4[%add3A_146, %dma_wait3A_149] : memref<204800x128xf32, #tpu.memory_space<hbm>> -> memref<40x128xf32, #tpu.memory_space<hbm>>
    tpu.wait_dma2 semaphore(%arg24 : memref<!tpu.dma_semaphore, #tpu.memory_space<semaphore_mem>>) src(%arg8 : memref<40x128xf32, #tpu.memory_space<vmem>>) dst(%dma_wait3A_150 : memref<40x128xf32, #tpu.memory_space<hbm>>)
    %add3A_151 = arith.constant 6200 : i32
    %add3A_152 = arith.addi %mul3A_2, %add3A_151 : i32
    %dma_wait3A_153 = arith.constant 0 : i32
    %dma_wait3A_154 = tpu.memref_slice %arg4[%add3A_152, %dma_wait3A_153] : memref<204800x128xf32, #tpu.memory_space<hbm>> -> memref<40x128xf32, #tpu.memory_space<hbm>>
    %dma_wait3A_155 = arith.constant 0 : i32
    %dma_wait3A_156 = tpu.memref_slice %arg4[%add3A_152, %dma_wait3A_155] : memref<204800x128xf32, #tpu.memory_space<hbm>> -> memref<40x128xf32, #tpu.memory_space<hbm>>
    tpu.wait_dma2 semaphore(%arg25 : memref<!tpu.dma_semaphore, #tpu.memory_space<semaphore_mem>>) src(%arg9 : memref<40x128xf32, #tpu.memory_space<vmem>>) dst(%dma_wait3A_156 : memref<40x128xf32, #tpu.memory_space<hbm>>)
    %add3A_157 = arith.constant 6240 : i32
    %add3A_158 = arith.addi %mul3A_2, %add3A_157 : i32
    %dma_wait3A_159 = arith.constant 0 : i32
    %dma_wait3A_160 = tpu.memref_slice %arg4[%add3A_158, %dma_wait3A_159] : memref<204800x128xf32, #tpu.memory_space<hbm>> -> memref<40x128xf32, #tpu.memory_space<hbm>>
    %dma_wait3A_161 = arith.constant 0 : i32
    %dma_wait3A_162 = tpu.memref_slice %arg4[%add3A_158, %dma_wait3A_161] : memref<204800x128xf32, #tpu.memory_space<hbm>> -> memref<40x128xf32, #tpu.memory_space<hbm>>
    tpu.wait_dma2 semaphore(%arg26 : memref<!tpu.dma_semaphore, #tpu.memory_space<semaphore_mem>>) src(%arg10 : memref<40x128xf32, #tpu.memory_space<vmem>>) dst(%dma_wait3A_162 : memref<40x128xf32, #tpu.memory_space<hbm>>)
    %add3A_163 = arith.constant 6280 : i32
    %add3A_164 = arith.addi %mul3A_2, %add3A_163 : i32
    %dma_wait3A_165 = arith.constant 0 : i32
    %dma_wait3A_166 = tpu.memref_slice %arg4[%add3A_164, %dma_wait3A_165] : memref<204800x128xf32, #tpu.memory_space<hbm>> -> memref<40x128xf32, #tpu.memory_space<hbm>>
    %dma_wait3A_167 = arith.constant 0 : i32
    %dma_wait3A_168 = tpu.memref_slice %arg4[%add3A_164, %dma_wait3A_167] : memref<204800x128xf32, #tpu.memory_space<hbm>> -> memref<40x128xf32, #tpu.memory_space<hbm>>
    tpu.wait_dma2 semaphore(%arg27 : memref<!tpu.dma_semaphore, #tpu.memory_space<semaphore_mem>>) src(%arg11 : memref<40x128xf32, #tpu.memory_space<vmem>>) dst(%dma_wait3A_168 : memref<40x128xf32, #tpu.memory_space<hbm>>)
    %add3A_169 = arith.constant 6320 : i32
    %add3A_170 = arith.addi %mul3A_2, %add3A_169 : i32
    %dma_wait3A_171 = arith.constant 0 : i32
    %dma_wait3A_172 = tpu.memref_slice %arg4[%add3A_170, %dma_wait3A_171] : memref<204800x128xf32, #tpu.memory_space<hbm>> -> memref<40x128xf32, #tpu.memory_space<hbm>>
    %dma_wait3A_173 = arith.constant 0 : i32
    %dma_wait3A_174 = tpu.memref_slice %arg4[%add3A_170, %dma_wait3A_173] : memref<204800x128xf32, #tpu.memory_space<hbm>> -> memref<40x128xf32, #tpu.memory_space<hbm>>
    tpu.wait_dma2 semaphore(%arg28 : memref<!tpu.dma_semaphore, #tpu.memory_space<semaphore_mem>>) src(%arg12 : memref<40x128xf32, #tpu.memory_space<vmem>>) dst(%dma_wait3A_174 : memref<40x128xf32, #tpu.memory_space<hbm>>)
    %add3A_175 = arith.constant 6360 : i32
    %add3A_176 = arith.addi %mul3A_2, %add3A_175 : i32
    %dma_wait3A_177 = arith.constant 0 : i32
    %dma_wait3A_178 = tpu.memref_slice %arg4[%add3A_176, %dma_wait3A_177] : memref<204800x128xf32, #tpu.memory_space<hbm>> -> memref<40x128xf32, #tpu.memory_space<hbm>>
    %dma_wait3A_179 = arith.constant 0 : i32
    %dma_wait3A_180 = tpu.memref_slice %arg4[%add3A_176, %dma_wait3A_179] : memref<204800x128xf32, #tpu.memory_space<hbm>> -> memref<40x128xf32, #tpu.memory_space<hbm>>
    tpu.wait_dma2 semaphore(%arg29 : memref<!tpu.dma_semaphore, #tpu.memory_space<semaphore_mem>>) src(%arg13 : memref<40x128xf32, #tpu.memory_space<vmem>>) dst(%dma_wait3A_180 : memref<40x128xf32, #tpu.memory_space<hbm>>)
    return
  }
}

</mosaic_0001>

<sc_bundles>
// kernel: kernel.3.cloned.1.call-start
scs
__scs_entry_jumppad:
0x0: {  	(pc) =	sbr.rel $0x88, $3  }
0x1: {  	(tag) =	ssettag $0x0;
	lr =	simm.s32 $0x1  }
0x2: {  	[smem:$0x3F9F] =	sst lr;
	_ =	strace $0xD0000000  }
0x3: {  	_ = 	snop  }
0x4: {  	_ = 	snop  }
0x5: {  	_ = 	snop  }
0x6: {  	_ = 	snop  }
0x7: {  	_ = 	snop  }
__scs_overlays_trampoline_lowered:
0x8: {  	[smem:$0x3FAE] =	sst s0  }
0x9: {  	[smem:$0x3FAF] =	sst s1  }
0xa: {  	[smem:$0x3FB0] =	sst s2  }
0xb: {  	[smem:$0x3FB1] =	sst s3  }
0xc: {  	[smem:$0x3FB2] =	sst s4  }
0xd: {  	[smem:$0x3FB3] =	sst s5  }
0xe: {  	[smem:$0x3FB4] =	sst s6  }
0xf: {  	[smem:$0x3FB5] =	sst s7  }
0x10: {  	[smem:$0x3FB6] =	sst s8  }
0x11: {  	[smem:$0x3FB7] =	sst s9;
	s0 =	simm.s32 @!p0 $0x0  }
0x12: {  	s1 =	sld [smem:$0x3F9D];
	s0 =	simm.s32 @p0 $0x1  }
0x13: {  	[smem:$0x3FB8] =	sst s0;
	s0 =	simm.s32 @!p1 $0x0  }
0x14: {  	s2 =	sld [smem:$0x3F9C];
	s0 =	simm.s32 @p1 $0x1  }
0x15: {  	[smem:$0x3FB9] =	sst s0;
	s0 =	simm.s32 @!p2 $0x0  }
0x16: {  	s3 =	sld [smem:$0x3FDB];
	s0 =	simm.s32 @p2 $0x1  }
0x17: {  	s4 =	simm.s32 $0x1BF5;
	[smem:$0x3FBB] =	sst s0  }
0x18: {  	s0 =	sld [smem:$0x3F9E];
	_ =	swait.ge [sflag:s4], $0x0  }
0x19: {  	s7 =	sld [smem:$0x3F9F]  }
0x1a: {  	s8 =	sadd.s32 $0xFFFFE003, lr  }
0x1b: {  	s9 =	sadd.s32 $0xFFFFFEF7, lr;
	s5 =	simm.s32 $0xFFFFFFFF;
	p2 =	slt.u32 s8, $0xFFFFF086  }
0x1c: {  	p1 =	slt.u32 s9, $0xF7A;
	s5 =	simm.s32 @!p2 $0x0  }
0x1d: {  	s5 =	simm.s32 @p1 $0x1;
	p0 =	seq.s32 s7, s2  }
0x1e: {  	s7 =	smul.u32 @!p0 $0xF7A, s2;
	p2 =	seq.s32 @!p0 s5, $0x0  }
0x1f: {  	s9 =	smul.u32 $0xF7A, s1;
	s8 =	simm.s32 @!p0 $0x1BF5;
	p2 =	por !p2, p0  }
0x20: {  	[sflag:s8] =	ssyncset.s32 @!p0 $0xFFFFF086;
	s6 =	sadd.s32 @!p0 s3, s7;
	s7 =	simm.s32 @!p0 $0x108  }
0x21: {  	s3 =	sadd.s32 s3, s9;
	s6 =	sadd.s32 @!p0 $0x88, s6;
	s7 =	simm.s32 @p2 $0x1082  }
0x22: {  	[simem:s7], [sflag:s8] =	dma.local @!p0 [hbm:s6], $0xF7A  }
0x23: {  	s9 =	sor.u32 $0xD0000000, s2;
	s6 =	simm.s32 $0x108;
	_ =	swait.ge @!p0 [sflag:s8], $0x0  }
0x24: {  	s3 =	sadd.s32 $0x88, s3;
	s6 =	simm.s32 @!p1 $0x1082;
	[sflag:s4] =	ssyncset.s32 $0xFFFFF086  }
0x25: {  	[simem:s6], [sflag:s4] =	dma.local [hbm:s3], $0xF7A  }
0x26: {  	[smem:$0x3F9F] =	sst s1;
	(tag) =	ssettag s2;
	_ =	strace s9  }
0x27: {  	s1 =	sld [smem:$0x3FAF]  }
0x28: {  	s2 =	sld [smem:$0x3FB0]  }
0x29: {  	s4 =	sld [smem:$0x3FB2]  }
0x2a: {  	p0 =	seq.s32 s5, $0x0;
	s5 =	sld [smem:$0x3FB3]  }
0x2b: {  	s6 =	sld [smem:$0x3FB4]  }
0x2c: {  	s7 =	sld [smem:$0x3FB5]  }
0x2d: {  	s3 =	simm.s32 $0x108;
	s8 =	sld [smem:$0x3FB6]  }
0x2e: {  	s3 =	simm.s32 @!p0 $0x1082;
	s9 =	sld [smem:$0x3FB7]  }
0x2f: {  	lr =	sadd.s32 s0, s3;
	s0 =	sld [smem:$0x3FAE]  }
0x30: {  	s3 =	sld [smem:$0x3FB1]  }
0x31: {  	[smem:$0x3FBA] =	sst s10  }
0x32: {  	s10 =	sld [smem:$0x3FB8];
	_ =	sdelay $0x3  }
0x33: {  	p0 =	seq.s32 s10, $0x1;
	s10 =	sld [smem:$0x3FBA];
	_ =	sdelay $0x3  }
0x34: {  	[smem:$0x3FBA] =	sst s10  }
0x35: {  	s10 =	sld [smem:$0x3FB9];
	_ =	sdelay $0x3  }
0x36: {  	p1 =	seq.s32 s10, $0x1;
	s10 =	sld [smem:$0x3FBA];
	_ =	sdelay $0x3  }
0x37: {  	[smem:$0x3FBA] =	sst s10  }
0x38: {  	s10 =	sld [smem:$0x3FBB]  }
0x39: {  	_ = 	snop;
	(pc) =	sbr.ind lr, $3  }
0x3a: {  	_ = 	snop  }
0x3b: {  	_ = 	snop  }
0x3c: {  	p2 =	seq.s32 s10, $0x1;
	s10 =	sld [smem:$0x3FBA]  }
0x3d: {  	_ =	shalt  }
0x3e: {  	_ =	shalt  }
0x3f: {  	_ =	shalt  }
0x40: {  	_ =	shalt  }
0x41: {  	_ =	shalt  }
0x42: {  	_ =	shalt  }
0x43: {  	_ =	shalt  }
0x44: {  	_ =	shalt  }
0x45: {  	_ =	shalt  }
0x46: {  	_ =	shalt  }
0x47: {  	_ =	shalt  }
0x48: {  	_ =	shalt  }
0x49: {  	_ =	shalt  }
0x4a: {  	_ =	shalt  }
0x4b: {  	_ =	shalt  }
0x4c: {  	_ =	shalt  }
0x4d: {  	_ =	shalt  }
0x4e: {  	_ =	shalt  }
0x4f: {  	_ =	shalt  }
0x50: {  	_ =	shalt  }
0x51: {  	_ =	shalt  }
0x52: {  	_ =	shalt  }
0x53: {  	_ =	shalt  }
0x54: {  	_ =	shalt  }
0x55: {  	_ =	shalt  }
0x56: {  	_ =	shalt  }
0x57: {  	_ =	shalt  }
0x58: {  	_ =	shalt  }
0x59: {  	_ =	shalt  }
0x5a: {  	_ =	shalt  }
0x5b: {  	_ =	shalt  }
0x5c: {  	_ =	shalt  }
0x5d: {  	_ =	shalt  }
0x5e: {  	_ =	shalt  }
0x5f: {  	_ =	shalt  }
0x60: {  	_ =	shalt  }
0x61: {  	_ =	shalt  }
0x62: {  	_ =	shalt  }
0x63: {  	_ =	shalt  }
0x64: {  	_ =	shalt  }
0x65: {  	_ =	shalt  }
0x66: {  	_ =	shalt  }
0x67: {  	_ =	shalt  }
0x68: {  	_ =	shalt  }
0x69: {  	_ =	shalt  }
0x6a: {  	_ =	shalt  }
0x6b: {  	_ =	shalt  }
0x6c: {  	_ =	shalt  }
0x6d: {  	_ =	shalt  }
0x6e: {  	_ =	shalt  }
0x6f: {  	_ =	shalt  }
0x70: {  	_ =	shalt  }
0x71: {  	_ =	shalt  }
0x72: {  	_ =	shalt  }
0x73: {  	_ =	shalt  }
0x74: {  	_ =	shalt  }
0x75: {  	_ =	shalt  }
0x76: {  	_ =	shalt  }
0x77: {  	_ =	shalt  }
0x78: {  	_ =	shalt  }
0x79: {  	_ =	shalt  }
0x7a: {  	_ =	shalt  }
0x7b: {  	_ =	shalt  }
0x7c: {  	_ =	shalt  }
0x7d: {  	_ =	shalt  }
0x7e: {  	_ =	shalt  }
0x7f: {  	_ =	shalt  }
0x80: {  	_ =	shalt  }
0x81: {  	_ =	shalt  }
0x82: {  	_ =	shalt  }
0x83: {  	_ =	shalt  }
0x84: {  	_ =	shalt  }
0x85: {  	_ =	shalt  }
0x86: {  	_ =	shalt  }
0x87: {  	_ =	shalt  }
.Lfunc_end0:
.L_simem_size_0:
called_computation_lowered:
.L_overlay_start_0:
0x88: {  	s2 =	sld [smem:$0x3FD9]  }
0x89: {  	s3 =	sld [smem:$0x3FFE];
	_ =	sdelay $0x1  }
0x8a: {  	s1 =	srdreg.scid  }
0x8b: {  	s0 =	sand.u32 $0x1, s1  }
0x8c: {  	s17 =	sshll.u32 s0, $0xA;
	s2 =	sadd.s32 s3, s2  }
0x8d: {  	s2 =	sadd.s32 s2, s17  }
0x8e: {  	[smem:$0x3FC6] =	sst s2  }
0x8f: {  	_ = 	snop  }
0x90: {  	s2 =	sld [smem:$0x3FC8]  }
0x91: {  	s18 =	sld [smem:$0x3FD0];
	(tm) =	ssettm $0x1  }
0x92: {  	s4 =	sld [smem:$0x3FFB];
	_ =	sdelay $0x3  }
0x93: {  	_ =	strace s4  }
0x94: {  	s4 =	sld [smem:$0x3FFC];
	_ =	sdelay $0x3  }
0x95: {  	_ =	strace s4  }
0x96: {  	s4 =	sld [smem:$0x3FFD];
	_ =	sdelay $0x3  }
0x97: {  	_ =	strace s4  }
0x98: {  	_ =	strace $0x8FFFFFFF  }
0x99: {  	s19 =	sld [smem:$0x3FDB];
	_ =	sdelay $0x1  }
0x9a: {  	s5 =	simm.s32 $_scs_section_size  }
0x9b: {  	s6 =	simm.s32 $_size__tile_overlayer_lowered;
	s7 =	simm.s32 $_tile_overlayer_lowered  }
0x9c: {  	s22 =	simm.s32 $0x1BFF;
	s21 =	sshll.u32 s7, $0x1;
	s4 =	sadd.s32 s5, s19  }
0x9d: {  	s8 =	simm.s32 $0x0;
	s20 =	sshll.u32 s6, $0x1;
	s6 =	sadd.s32 s21, s4  }
0x9e: {  	[timem:s8], [sflag:s22] =	dma.local [hbm:s6], s20  }
0x9f: {  	_ =	swait.ge [sflag:s22], s20  }
0xa0: {  	s5 =	ssub.s32 $0x0, s20;
	[sflag:s22] =	ssyncset.done $0x0  }
0xa1: {  	[sflag:s22] =	ssyncadd.s32 s5;
	_ =	sdelay $0x1  }
0xa2: {  	s23 =	simm.s32 $0x1B8B  }
0xa3: {  	_ =	swait.ge [sflag:s23], $0x1  }
0xa4: {  	[sflag:s23] =	ssyncset.done $0x0  }
0xa5: {  	s25 =	simm.s32 $0x1B8E;
	s24 =	sld [smem:$0x3FFE];
	[sflag:s23] =	ssyncadd.s32 $0xFFFFFFFF  }
0xa6: {  	s26 =	simm.s32 $execute0_lowered;
	[smem:$0x3FD2] =	sst s25  }
0xa7: {  	s6 =	sshll.u32 s26, $0x1;
	_ =	strace $0x80000046;
	[dreg:$0x1] =	wrdreg $0xFFFFFFFF  }
0xa8: {  	s28 =	simm.s32 $_size_execute0_lowered;
	s4 =	sadd.s32 s4, s6;
	[dreg:$0x0] =	wrdreg $0x0  }
0xa9: {  	s6 =	sshll.u32 s28, $0x1;
	[dreg:$0x2] =	wrdreg s4  }
0xaa: {  	[dreg:$0x3] =	wrdreg s6  }
0xab: {  	[dreg:$0x4] =	wrdreg $0xC0  }
0xac: {  	_ =	task [dreg:s8], $0x5FFFF  }
0xad: {  	[dreg:$0x1] =	wrdreg $0xFFFFFFFF  }
0xae: {  	[dreg:$0x0] =	wrdreg $0x60  }
0xaf: {  	[dreg:$0x2] =	wrdreg s2  }
0xb0: {  	[dreg:$0x3] =	wrdreg s24  }
0xb1: {  	[dreg:$0x4] =	wrdreg s18  }
0xb2: {  	[dreg:$0x5] =	wrdreg $0x9  }
0xb3: {  	_ =	task.clear_ibuf [dreg:s8], $0x6FFFF;
	_ =	strace $0x90000046  }
0xb4: {  	s29 =	simm.s32 $0x9;
	_ =	strace $0x80000048  }
0xb5: {  	_ =	swait.ge [sflag:s29], $0x1  }
0xb6: {  	[sflag:s29] =	ssyncadd.s32 $0xFFFFFFFF  }
0xb7: {  	_ =	strace $0x90000048  }
0xb8: {  	_ =	sfence  }
0xb9: {  	s30 =	sld [smem:$0x0];
	_ =	sdelay $0x2  }
0xba: {  	s31 =	sshll.u32 s1, $0xD;
	s1 =	sshrl.u32 s1, $0x2  }
0xbb: {  	s3 =	sand.u32 $0x4000, s31;
	s1 =	sadd.s32 s1, s30  }
0xbc: {  	s0 =	sor.u32 s3, s0;
	s1 =	sshll.u32 s1, $0x11  }
0xbd: {  	s0 =	sor.u32 s1, s0  }
0xbe: {  	s0 =	sadd.s32 $0x8F2B, s0  }
0xbf: {  	[sflag:s0] =	ssyncadd.remote.s32 $0x1  }
0xc0: {  	_ =	sfence.sel $0xFFFF  }
0xc1: {  	[dreg:$0x0] =	wrdreg $0xFFFFFFFF;
	(pc) =	sbr.abs _section_cstart, $3  }
0xc2: {  	[dreg:$0x1] =	wrdreg $0xFFFFFFFF  }
0xc3: {  	_ =	task.clear_ibuf [dreg:s8], $0x2FFFF;
	_ =	strace $0x9FFFFFFF  }
0xc4: {  	(tm) =	ssettm $0x7FFFFFFF  }
0xc5: {  	_ =	shalt  }
tec
execute0_lowered:
.L_overlay_start_1:
0x0: {  	(tag) =	ssettag $0x1  }
0x1: {  	s1 =	rddreg [dreg:$0x0]  }
0x2: {  	s0 =	srdreg.scid;
	s2 =	rddreg [dreg:$0x1]  }
0x3: {  	s9 =	stileid.u32;
	s4 =	rddreg [dreg:$0x2];
	s29 =	simm.s32 $0x9100  }
0x4: {  	s31 =	simm.s32 $0xA500;
	s28 =	simm.s32 $0x7;
	s30 =	simm.s32 $0x8  }
0x5: {  	s10 =	simm.s32 $0xF;
	s0 =	sand.u32 $0x1, s0;
	s3 =	sshll.u32 s9, $0x1  }
0x6: {  	s11 =	simm.s32 $0x10;
	s13 =	simm.s32 $0x0;
	s5 =	sor.u32 s0, s3  }
0x7: {  	s3 =	simm.s32 $0x0;
	s7 =	ssub.s32 $0x2, s0;
	s6 =	smul.u32 $0x1900, s5  }
0x8: {  	[smem:$0x7FF] =	sst s3;
	s5 =	smul.u32 $0xC8000, s5;
	s8 =	sshrl.u32 s7, $0x1  }
0x9: {  	_ =	strace $0x80000047;
	s16 =	ssub.s32 s7, s8;
	s6 =	sshrl.u32 s6, $0x3  }
0xa: {  	s5 =	sshrl.u32 s5, $0x3;
	s26 =	smax.u32 s16, $0x1;
	s2 =	sadd.s32 s6, s2  }
0xb: {  	s5 =	sadd.s32 s4, s5;
	[dreg:$0xd] =	wrdreg s26;
	s2 =	sadd.s32 $0x400, s2  }
0xc: {  	s18 =	smul.u32 $0x32000, s9;
	s17 =	sadd.s32 $0x17C00, s5;
	[dreg:$0x4] =	wrdreg s2  }
0xd: {  	s9 =	simm.s32 $0xE;
	s19 =	sadd.s32 $0x17E80, s5;
	[dreg:$0x5] =	wrdreg s17  }
0xe: {  	s0 =	smul.u32 $0x19000, s0;
	s20 =	sadd.s32 $0x18100, s5;
	[dreg:$0x6] =	wrdreg s19  }
0xf: {  	s7 =	simm.s32 $0xC;
	s21 =	sadd.s32 $0x18380, s5;
	[dreg:$0x7] =	wrdreg s20  }
0x10: {  	s8 =	simm.s32 $0xD;
	s22 =	sadd.s32 $0x18600, s5;
	[dreg:$0x8] =	wrdreg s21  }
0x11: {  	s16 =	simm.s32 $0x28;
	s23 =	sadd.s32 $0x18880, s5;
	[dreg:$0x9] =	wrdreg s22  }
0x12: {  	s26 =	simm.s32 $0x7D00;
	s24 =	sadd.s32 $0x18B00, s5;
	[dreg:$0xa] =	wrdreg s23  }
0x13: {  	s6 =	simm.s32 $0xB;
	s25 =	sadd.s32 $0x18D80, s5;
	[dreg:$0xb] =	wrdreg s24  }
0x14: {  	s5 =	simm.s32 $0xA;
	s2 =	sadd.s32 s18, s4;
	[dreg:$0xc] =	wrdreg s25  }
0x15: {  	s17 =	simm.s32 $0x1900;
	s18 =	simm.s32 $0x2D00;
	s20 =	simm.s32 $0x4100  }
0x16: {  	s22 =	simm.s32 $0x5500;
	s24 =	simm.s32 $0x6900;
	s19 =	simm.s32 $0x3  }
0x17: {  	s21 =	simm.s32 $0x4;
	s23 =	simm.s32 $0x5;
	s0 =	sadd.s32 s0, s2  }
0x18: {  	s25 =	simm.s32 $0x6;
	s4 =	simm.s32 $0x9;
	s0 =	sadd.s32 $0x1180, s0  }
0x19: {  	s2 =	simm.s32 $0x1;
	[dreg:$0xe] =	wrdreg s0;
	s0 =	simm.s32 $0x2  }
.LBB2_1:
0x1a: {  	[dreg:$0xf] =	wrdreg s13  }
0x1b: {  	s12 =	rddreg [dreg:$0x4];
	s15 =	simm.s32 $0x11  }
0x1c: {  	[tilespmem:s3], [sflag:$0x11] =	stream.linear.gather [hbm4b:s12+s3], $0x1900, $0x38;
	[tilespmem:$0xB900] =	vst v63  }
0x1d: {  	_ =	swait.ge [sflag:s15], $0x1900  }
0x1e: {  	[sflag:s15] =	ssyncset.done $0x0  }
0x1f: {  	[sflag:s15] =	ssyncadd.s32 $0xFFFFE700  }
0x20: {  	[tilespmem:s17], [sflag:$0x1] =	stream.indirect.gather [hbm4b:s1+s16], $0x80, s3, s16, $0xb8;
	[tilespmem:$0xB900] =	vst v63  }
0x21: {  	_ = 	snop  }
0x22: {  	[tilespmem:s18], [sflag:$0x2] =	stream.indirect.gather [hbm4b:s1+s16], $0x80, s16, s16, $0xb8;
	[tilespmem:$0xB900] =	vst v63  }
0x23: {  	s13 =	simm.s32 $0x50  }
0x24: {  	[tilespmem:s20], [sflag:$0x3] =	stream.indirect.gather [hbm4b:s1+s16], $0x80, s13, s16, $0xb8;
	[tilespmem:$0xB900] =	vst v63  }
0x25: {  	s14 =	simm.s32 $0x78  }
0x26: {  	[tilespmem:s22], [sflag:$0x4] =	stream.indirect.gather [hbm4b:s1+s16], $0x80, s14, s16, $0xb8;
	[tilespmem:$0xB900] =	vst v63  }
0x27: {  	s15 =	simm.s32 $0xA0  }
0x28: {  	[tilespmem:s24], [sflag:$0x5] =	stream.indirect.gather [hbm4b:s1+s16], $0x80, s15, s16, $0xb8;
	[tilespmem:$0xB900] =	vst v63  }
0x29: {  	s13 =	simm.s32 $0xC8  }
0x2a: {  	[tilespmem:s26], [sflag:$0x6] =	stream.indirect.gather [hbm4b:s1+s16], $0x80, s13, s16, $0xb8;
	[tilespmem:$0xB900] =	vst v63  }
0x2b: {  	s14 =	simm.s32 $0xF0  }
0x2c: {  	[tilespmem:s29], [sflag:$0x7] =	stream.indirect.gather [hbm4b:s1+s16], $0x80, s14, s16, $0xb8;
	[tilespmem:$0xB900] =	vst v63  }
0x2d: {  	s15 =	simm.s32 $0x118  }
0x2e: {  	[tilespmem:s31], [sflag:$0x8] =	stream.indirect.gather [hbm4b:s1+s16], $0x80, s15, s16, $0xb8;
	[tilespmem:$0xB900] =	vst v63  }
0x2f: {  	_ =	swait.ge [sflag:s2], $0x1400  }
0x30: {  	[sflag:s2] =	ssyncset.done $0x0;
	s14 =	rddreg [dreg:$0xe]  }
0x31: {  	[sflag:s2] =	ssyncadd.s32 $0xFFFFEC00;
	s13 =	sadd.s32 $0xFFFFEE80, s14  }
0x32: {  	[hbm4b:s13+s3] =	stream.linear.scatter [tilespmem:s17], [sflag:$0x9], $0x1400, $0x38;
	[tilespmem:$0xB900] =	vst v63  }
0x33: {  	_ =	swait.ge [sflag:s0], $0x1400  }
0x34: {  	[sflag:s0] =	ssyncset.done $0x0  }
0x35: {  	s15 =	sadd.s32 $0xFFFFF100, s14;
	[sflag:s0] =	ssyncadd.s32 $0xFFFFEC00  }
0x36: {  	[hbm4b:s15+s3] =	stream.linear.scatter [tilespmem:s18], [sflag:$0xA], $0x1400, $0x38;
	[tilespmem:$0xB900] =	vst v63  }
0x37: {  	_ =	swait.ge [sflag:s19], $0x1400  }
0x38: {  	[sflag:s19] =	ssyncset.done $0x0  }
0x39: {  	s13 =	sadd.s32 $0xFFFFF380, s14;
	[sflag:s19] =	ssyncadd.s32 $0xFFFFEC00  }
0x3a: {  	[hbm4b:s13+s3] =	stream.linear.scatter [tilespmem:s20], [sflag:$0xB], $0x1400, $0x38;
	[tilespmem:$0xB900] =	vst v63  }
0x3b: {  	_ =	swait.ge [sflag:s21], $0x1400  }
0x3c: {  	[sflag:s21] =	ssyncset.done $0x0  }
0x3d: {  	s15 =	sadd.s32 $0xFFFFF600, s14;
	[sflag:s21] =	ssyncadd.s32 $0xFFFFEC00  }
0x3e: {  	[hbm4b:s15+s3] =	stream.linear.scatter [tilespmem:s22], [sflag:$0xC], $0x1400, $0x38;
	[tilespmem:$0xB900] =	vst v63  }
0x3f: {  	_ =	swait.ge [sflag:s23], $0x1400  }
0x40: {  	[sflag:s23] =	ssyncset.done $0x0  }
0x41: {  	s13 =	sadd.s32 $0xFFFFF880, s14;
	[sflag:s23] =	ssyncadd.s32 $0xFFFFEC00  }
0x42: {  	[hbm4b:s13+s3] =	stream.linear.scatter [tilespmem:s24], [sflag:$0xD], $0x1400, $0x38;
	[tilespmem:$0xB900] =	vst v63  }
0x43: {  	_ =	swait.ge [sflag:s25], $0x1400  }
0x44: {  	[sflag:s25] =	ssyncset.done $0x0  }
0x45: {  	s15 =	sadd.s32 $0xFFFFFB00, s14;
	[sflag:s25] =	ssyncadd.s32 $0xFFFFEC00  }
0x46: {  	[hbm4b:s15+s3] =	stream.linear.scatter [tilespmem:s26], [sflag:$0xE], $0x1400, $0x38;
	[tilespmem:$0xB900] =	vst v63  }
0x47: {  	_ =	swait.ge [sflag:s28], $0x1400  }
0x48: {  	[sflag:s28] =	ssyncset.done $0x0  }
0x49: {  	s13 =	sadd.s32 $0xFFFFFD80, s14;
	[sflag:s28] =	ssyncadd.s32 $0xFFFFEC00  }
0x4a: {  	[hbm4b:s13+s3] =	stream.linear.scatter [tilespmem:s29], [sflag:$0xF], $0x1400, $0x38;
	[tilespmem:$0xB900] =	vst v63  }
0x4b: {  	_ =	swait.ge [sflag:s30], $0x1400  }
0x4c: {  	[sflag:s30] =	ssyncset.done $0x0  }
0x4d: {  	[sflag:s30] =	ssyncadd.s32 $0xFFFFEC00  }
0x4e: {  	[hbm4b:s14+s3] =	stream.linear.scatter [tilespmem:s31], [sflag:$0x10], $0x1400, $0x38;
	[tilespmem:$0xB900] =	vst v63  }
0x4f: {  	_ =	swait.ge [sflag:s4], $0x1400  }
0x50: {  	[sflag:s4] =	ssyncset.done $0x0  }
0x51: {  	s15 =	simm.s32 $0x140;
	[sflag:s4] =	ssyncadd.s32 $0xFFFFEC00  }
0x52: {  	[tilespmem:s17], [sflag:$0x1] =	stream.indirect.gather [hbm4b:s1+s16], $0x80, s15, s16, $0xb8;
	[tilespmem:$0xB900] =	vst v63  }
0x53: {  	_ =	swait.ge [sflag:s5], $0x1400  }
0x54: {  	[sflag:s5] =	ssyncset.done $0x0  }
0x55: {  	s13 =	simm.s32 $0x168;
	[sflag:s5] =	ssyncadd.s32 $0xFFFFEC00  }
0x56: {  	[tilespmem:s18], [sflag:$0x2] =	stream.indirect.gather [hbm4b:s1+s16], $0x80, s13, s16, $0xb8;
	[tilespmem:$0xB900] =	vst v63  }
0x57: {  	_ =	swait.ge [sflag:s6], $0x1400  }
0x58: {  	[sflag:s6] =	ssyncset.done $0x0  }
0x59: {  	s15 =	simm.s32 $0x190;
	[sflag:s6] =	ssyncadd.s32 $0xFFFFEC00  }
0x5a: {  	[tilespmem:s20], [sflag:$0x3] =	stream.indirect.gather [hbm4b:s1+s16], $0x80, s15, s16, $0xb8;
	[tilespmem:$0xB900] =	vst v63  }
0x5b: {  	_ =	swait.ge [sflag:s7], $0x1400  }
0x5c: {  	[sflag:s7] =	ssyncset.done $0x0  }
0x5d: {  	s13 =	simm.s32 $0x1B8;
	[sflag:s7] =	ssyncadd.s32 $0xFFFFEC00  }
0x5e: {  	[tilespmem:s22], [sflag:$0x4] =	stream.indirect.gather [hbm4b:s1+s16], $0x80, s13, s16, $0xb8;
	[tilespmem:$0xB900] =	vst v63  }
0x5f: {  	_ =	swait.ge [sflag:s8], $0x1400  }
0x60: {  	[sflag:s8] =	ssyncset.done $0x0  }
0x61: {  	s15 =	simm.s32 $0x1E0;
	[sflag:s8] =	ssyncadd.s32 $0xFFFFEC00  }
0x62: {  	[tilespmem:s24], [sflag:$0x5] =	stream.indirect.gather [hbm4b:s1+s16], $0x80, s15, s16, $0xb8;
	[tilespmem:$0xB900] =	vst v63  }
0x63: {  	_ =	swait.ge [sflag:s9], $0x1400  }
0x64: {  	[sflag:s9] =	ssyncset.done $0x0  }
0x65: {  	s13 =	simm.s32 $0x208;
	[sflag:s9] =	ssyncadd.s32 $0xFFFFEC00  }
0x66: {  	[tilespmem:s26], [sflag:$0x6] =	stream.indirect.gather [hbm4b:s1+s16], $0x80, s13, s16, $0xb8;
	[tilespmem:$0xB900] =	vst v63  }
0x67: {  	_ =	swait.ge [sflag:s10], $0x1400  }
0x68: {  	[sflag:s10] =	ssyncset.done $0x0  }
0x69: {  	s15 =	simm.s32 $0x230;
	[sflag:s10] =	ssyncadd.s32 $0xFFFFEC00  }
0x6a: {  	[tilespmem:s29], [sflag:$0x7] =	stream.indirect.gather [hbm4b:s1+s16], $0x80, s15, s16, $0xb8;
	[tilespmem:$0xB900] =	vst v63  }
0x6b: {  	_ =	swait.ge [sflag:s11], $0x1400  }
0x6c: {  	s12 =	simm.s32 $0x258;
	[sflag:s11] =	ssyncset.done $0x0  }
0x6d: {  	s13 =	simm.s32 $0x500;
	s15 =	sadd.s32 $0x1400, s14;
	[sflag:s11] =	ssyncadd.s32 $0xFFFFEC00  }
.LBB2_2:
0x6e: {  	[tilespmem:s31], [sflag:$0x8] =	stream.indirect.gather [hbm4b:s1+s16], $0x80, s12, s16, $0xb8;
	[tilespmem:$0xB900] =	vst v63  }
0x6f: {  	s12 =	smov.u32 s13  }
0x70: {  	p0 =	sne.s32 s13, $0x5A00;
	s13 =	sadd.s32 $0x500, s13;
	_ =	swait.ge [sflag:s2], $0x1400  }
0x71: {  	[sflag:s2] =	ssyncset.done $0x0  }
0x72: {  	s14 =	sadd.s32 $0xFFFFEE80, s15;
	[sflag:s2] =	ssyncadd.s32 $0xFFFFEC00  }
0x73: {  	[hbm4b:s14+s3] =	stream.linear.scatter [tilespmem:s17], [sflag:$0x9], $0x1400, $0x38;
	[tilespmem:$0xB900] =	vst v63  }
0x74: {  	_ =	swait.ge [sflag:s0], $0x1400  }
0x75: {  	[sflag:s0] =	ssyncset.done $0x0  }
0x76: {  	s14 =	sadd.s32 $0xFFFFF100, s15;
	[sflag:s0] =	ssyncadd.s32 $0xFFFFEC00  }
0x77: {  	[hbm4b:s14+s3] =	stream.linear.scatter [tilespmem:s18], [sflag:$0xA], $0x1400, $0x38;
	[tilespmem:$0xB900] =	vst v63  }
0x78: {  	_ =	swait.ge [sflag:s19], $0x1400  }
0x79: {  	[sflag:s19] =	ssyncset.done $0x0  }
0x7a: {  	s14 =	sadd.s32 $0xFFFFF380, s15;
	[sflag:s19] =	ssyncadd.s32 $0xFFFFEC00  }
0x7b: {  	[hbm4b:s14+s3] =	stream.linear.scatter [tilespmem:s20], [sflag:$0xB], $0x1400, $0x38;
	[tilespmem:$0xB900] =	vst v63  }
0x7c: {  	_ =	swait.ge [sflag:s21], $0x1400  }
0x7d: {  	[sflag:s21] =	ssyncset.done $0x0  }
0x7e: {  	s14 =	sadd.s32 $0xFFFFF600, s15;
	[sflag:s21] =	ssyncadd.s32 $0xFFFFEC00  }
0x7f: {  	[hbm4b:s14+s3] =	stream.linear.scatter [tilespmem:s22], [sflag:$0xC], $0x1400, $0x38;
	[tilespmem:$0xB900] =	vst v63  }
0x80: {  	_ =	swait.ge [sflag:s23], $0x1400  }
0x81: {  	[sflag:s23] =	ssyncset.done $0x0  }
0x82: {  	s14 =	sadd.s32 $0xFFFFF880, s15;
	[sflag:s23] =	ssyncadd.s32 $0xFFFFEC00  }
0x83: {  	[hbm4b:s14+s3] =	stream.linear.scatter [tilespmem:s24], [sflag:$0xD], $0x1400, $0x38;
	[tilespmem:$0xB900] =	vst v63  }
0x84: {  	_ =	swait.ge [sflag:s25], $0x1400  }
0x85: {  	[sflag:s25] =	ssyncset.done $0x0  }
0x86: {  	s14 =	sadd.s32 $0xFFFFFB00, s15;
	[sflag:s25] =	ssyncadd.s32 $0xFFFFEC00  }
0x87: {  	[hbm4b:s14+s3] =	stream.linear.scatter [tilespmem:s26], [sflag:$0xE], $0x1400, $0x38;
	[tilespmem:$0xB900] =	vst v63  }
0x88: {  	_ =	swait.ge [sflag:s28], $0x1400  }
0x89: {  	[sflag:s28] =	ssyncset.done $0x0  }
0x8a: {  	s14 =	sadd.s32 $0xFFFFFD80, s15;
	[sflag:s28] =	ssyncadd.s32 $0xFFFFEC00  }
0x8b: {  	[hbm4b:s14+s3] =	stream.linear.scatter [tilespmem:s29], [sflag:$0xF], $0x1400, $0x38;
	[tilespmem:$0xB900] =	vst v63  }
0x8c: {  	_ =	swait.ge [sflag:s30], $0x1400  }
0x8d: {  	[sflag:s30] =	ssyncset.done $0x0  }
0x8e: {  	[sflag:s30] =	ssyncadd.s32 $0xFFFFEC00  }
0x8f: {  	[hbm4b:s15+s3] =	stream.linear.scatter [tilespmem:s31], [sflag:$0x10], $0x1400, $0x38;
	[tilespmem:$0xB900] =	vst v63  }
0x90: {  	_ =	swait.ge [sflag:s4], $0x1400  }
0x91: {  	s12 =	sshra.s32 s12, $0x2;
	[sflag:s4] =	ssyncset.done $0x0  }
0x92: {  	s14 =	sadd.s32 $0x140, s12;
	[sflag:s4] =	ssyncadd.s32 $0xFFFFEC00  }
0x93: {  	[tilespmem:s17], [sflag:$0x1] =	stream.indirect.gather [hbm4b:s1+s16], $0x80, s14, s16, $0xb8;
	[tilespmem:$0xB900] =	vst v63  }
0x94: {  	_ =	swait.ge [sflag:s5], $0x1400  }
0x95: {  	[sflag:s5] =	ssyncset.done $0x0  }
0x96: {  	s14 =	sadd.s32 $0x168, s12;
	[sflag:s5] =	ssyncadd.s32 $0xFFFFEC00  }
0x97: {  	[tilespmem:s18], [sflag:$0x2] =	stream.indirect.gather [hbm4b:s1+s16], $0x80, s14, s16, $0xb8;
	[tilespmem:$0xB900] =	vst v63  }
0x98: {  	_ =	swait.ge [sflag:s6], $0x1400  }
0x99: {  	[sflag:s6] =	ssyncset.done $0x0  }
0x9a: {  	s14 =	sadd.s32 $0x190, s12;
	[sflag:s6] =	ssyncadd.s32 $0xFFFFEC00  }
0x9b: {  	[tilespmem:s20], [sflag:$0x3] =	stream.indirect.gather [hbm4b:s1+s16], $0x80, s14, s16, $0xb8;
	[tilespmem:$0xB900] =	vst v63  }
0x9c: {  	_ =	swait.ge [sflag:s7], $0x1400  }
0x9d: {  	[sflag:s7] =	ssyncset.done $0x0  }
0x9e: {  	s14 =	sadd.s32 $0x1B8, s12;
	[sflag:s7] =	ssyncadd.s32 $0xFFFFEC00  }
0x9f: {  	[tilespmem:s22], [sflag:$0x4] =	stream.indirect.gather [hbm4b:s1+s16], $0x80, s14, s16, $0xb8;
	[tilespmem:$0xB900] =	vst v63  }
0xa0: {  	_ =	swait.ge [sflag:s8], $0x1400  }
0xa1: {  	[sflag:s8] =	ssyncset.done $0x0  }
0xa2: {  	s14 =	sadd.s32 $0x1E0, s12;
	[sflag:s8] =	ssyncadd.s32 $0xFFFFEC00  }
0xa3: {  	[tilespmem:s24], [sflag:$0x5] =	stream.indirect.gather [hbm4b:s1+s16], $0x80, s14, s16, $0xb8;
	[tilespmem:$0xB900] =	vst v63  }
0xa4: {  	_ =	swait.ge [sflag:s9], $0x1400  }
0xa5: {  	[sflag:s9] =	ssyncset.done $0x0  }
0xa6: {  	s14 =	sadd.s32 $0x208, s12;
	[sflag:s9] =	ssyncadd.s32 $0xFFFFEC00  }
0xa7: {  	[tilespmem:s26], [sflag:$0x6] =	stream.indirect.gather [hbm4b:s1+s16], $0x80, s14, s16, $0xb8;
	[tilespmem:$0xB900] =	vst v63  }
0xa8: {  	_ =	swait.ge [sflag:s10], $0x1400  }
0xa9: {  	[sflag:s10] =	ssyncset.done $0x0  }
.Ltmp0:
0xaa: {  	s14 =	sadd.s32 $0x230, s12;
	[sflag:s10] =	ssyncadd.s32 $0xFFFFEC00;
	(pc) =	sbr.rel @p0 .LBB2_2-.Ltmp0, $4  }
0xab: {  	[tilespmem:s29], [sflag:$0x7] =	stream.indirect.gather [hbm4b:s1+s16], $0x80, s14, s16, $0xb8;
	[tilespmem:$0xB900] =	vst v63  }
0xac: {  	_ =	swait.ge [sflag:s11], $0x1400  }
0xad: {  	[sflag:s11] =	ssyncset.done $0x0  }
0xae: {  	s15 =	sadd.s32 $0x1400, s15;
	s12 =	sadd.s32 $0x258, s12;
	[sflag:s11] =	ssyncadd.s32 $0xFFFFEC00  }
0xaf: {  	[tilespmem:s31], [sflag:$0x8] =	stream.indirect.gather [hbm4b:s1+s16], $0x80, s12, s16, $0xb8;
	[tilespmem:$0xB900] =	vst v63  }
0xb0: {  	_ =	swait.ge [sflag:s2], $0x1400  }
0xb1: {  	[sflag:s2] =	ssyncset.done $0x0  }
0xb2: {  	s13 =	rddreg [dreg:$0x5];
	[sflag:s2] =	ssyncadd.s32 $0xFFFFEC00  }
0xb3: {  	[hbm4b:s13+s3] =	stream.linear.scatter [tilespmem:s17], [sflag:$0x9], $0x1400, $0x38;
	[tilespmem:$0xB900] =	vst v63  }
0xb4: {  	_ =	swait.ge [sflag:s0], $0x1400  }
0xb5: {  	[sflag:s0] =	ssyncset.done $0x0  }
0xb6: {  	s14 =	rddreg [dreg:$0x6];
	[sflag:s0] =	ssyncadd.s32 $0xFFFFEC00  }
0xb7: {  	[hbm4b:s14+s3] =	stream.linear.scatter [tilespmem:s18], [sflag:$0xA], $0x1400, $0x38;
	[tilespmem:$0xB900] =	vst v63  }
0xb8: {  	_ =	swait.ge [sflag:s19], $0x1400  }
0xb9: {  	[sflag:s19] =	ssyncset.done $0x0  }
0xba: {  	s15 =	rddreg [dreg:$0x7];
	[sflag:s19] =	ssyncadd.s32 $0xFFFFEC00  }
0xbb: {  	[hbm4b:s15+s3] =	stream.linear.scatter [tilespmem:s20], [sflag:$0xB], $0x1400, $0x38;
	[tilespmem:$0xB900] =	vst v63  }
0xbc: {  	_ =	swait.ge [sflag:s21], $0x1400  }
0xbd: {  	[sflag:s21] =	ssyncset.done $0x0  }
0xbe: {  	s13 =	rddreg [dreg:$0x8];
	[sflag:s21] =	ssyncadd.s32 $0xFFFFEC00  }
0xbf: {  	[hbm4b:s13+s3] =	stream.linear.scatter [tilespmem:s22], [sflag:$0xC], $0x1400, $0x38;
	[tilespmem:$0xB900] =	vst v63  }
0xc0: {  	_ =	swait.ge [sflag:s23], $0x1400  }
0xc1: {  	[sflag:s23] =	ssyncset.done $0x0  }
0xc2: {  	s14 =	rddreg [dreg:$0x9];
	[sflag:s23] =	ssyncadd.s32 $0xFFFFEC00  }
0xc3: {  	[hbm4b:s14+s3] =	stream.linear.scatter [tilespmem:s24], [sflag:$0xD], $0x1400, $0x38;
	[tilespmem:$0xB900] =	vst v63  }
0xc4: {  	_ =	swait.ge [sflag:s25], $0x1400  }
0xc5: {  	[sflag:s25] =	ssyncset.done $0x0  }
0xc6: {  	s15 =	rddreg [dreg:$0xa];
	[sflag:s25] =	ssyncadd.s32 $0xFFFFEC00  }
0xc7: {  	[hbm4b:s15+s3] =	stream.linear.scatter [tilespmem:s26], [sflag:$0xE], $0x1400, $0x38;
	[tilespmem:$0xB900] =	vst v63  }
0xc8: {  	_ =	swait.ge [sflag:s28], $0x1400  }
0xc9: {  	[sflag:s28] =	ssyncset.done $0x0  }
0xca: {  	s13 =	rddreg [dreg:$0xb];
	[sflag:s28] =	ssyncadd.s32 $0xFFFFEC00  }
0xcb: {  	[hbm4b:s13+s3] =	stream.linear.scatter [tilespmem:s29], [sflag:$0xF], $0x1400, $0x38;
	[tilespmem:$0xB900] =	vst v63  }
0xcc: {  	_ =	swait.ge [sflag:s30], $0x1400  }
0xcd: {  	[sflag:s30] =	ssyncset.done $0x0  }
0xce: {  	s14 =	rddreg [dreg:$0xc];
	[sflag:s30] =	ssyncadd.s32 $0xFFFFEC00  }
0xcf: {  	[hbm4b:s14+s3] =	stream.linear.scatter [tilespmem:s31], [sflag:$0x10], $0x1400, $0x38;
	[tilespmem:$0xB900] =	vst v63  }
0xd0: {  	_ =	swait.ge [sflag:s4], $0x1400  }
0xd1: {  	[sflag:s4] =	ssyncset.done $0x0  }
0xd2: {  	[sflag:s4] =	ssyncadd.s32 $0xFFFFEC00  }
0xd3: {  	_ =	swait.ge [sflag:s5], $0x1400  }
0xd4: {  	[sflag:s5] =	ssyncset.done $0x0  }
0xd5: {  	[sflag:s5] =	ssyncadd.s32 $0xFFFFEC00  }
0xd6: {  	_ =	swait.ge [sflag:s6], $0x1400  }
0xd7: {  	[sflag:s6] =	ssyncset.done $0x0  }
0xd8: {  	[sflag:s6] =	ssyncadd.s32 $0xFFFFEC00  }
0xd9: {  	_ =	swait.ge [sflag:s7], $0x1400  }
0xda: {  	[sflag:s7] =	ssyncset.done $0x0  }
0xdb: {  	[sflag:s7] =	ssyncadd.s32 $0xFFFFEC00  }
0xdc: {  	_ =	swait.ge [sflag:s8], $0x1400  }
0xdd: {  	[sflag:s8] =	ssyncset.done $0x0  }
0xde: {  	[sflag:s8] =	ssyncadd.s32 $0xFFFFEC00  }
0xdf: {  	_ =	swait.ge [sflag:s9], $0x1400  }
0xe0: {  	[sflag:s9] =	ssyncset.done $0x0  }
0xe1: {  	[sflag:s9] =	ssyncadd.s32 $0xFFFFEC00  }
0xe2: {  	_ =	swait.ge [sflag:s10], $0x1400  }
0xe3: {  	[sflag:s10] =	ssyncset.done $0x0  }
0xe4: {  	[sflag:s10] =	ssyncadd.s32 $0xFFFFEC00  }
0xe5: {  	_ =	swait.ge [sflag:s11], $0x1400  }
0xe6: {  	s13 =	rddreg [dreg:$0xf]  }
0xe7: {  	s15 =	rddreg [dreg:$0xd];
	s13 =	sadd.s32 $0x1, s13  }
0xe8: {  	p0 =	sne.s32 s13, s15  }
.Ltmp1:
0xe9: {  	_ = 	snop;
	(pc) =	sbr.rel @p0 .LBB2_1-.Ltmp1, $3  }
0xea: {  	_ =	sdelay $0x1  }
0xeb: {  	[sflag:s11] =	ssyncset.done $0x0  }
0xec: {  	[sflag:s11] =	ssyncadd.s32 $0xFFFFEC00  }
0xed: {  	_ =	sfence.sel $0x180000  }
0xee: {  	[bflag:$0x0] =	sbarrier.arrive $0xFFFF  }
0xef: {  	_ =	strace $0x90000047  }
0xf0: {  	s0 =	stileid.u32;
	[bflag:$0x2] =	sbarrier.arrive $0xFFFF  }
0xf1: {  	p0 =	sne.s32 s0, $0x0;
	s0 =	rddreg [dreg:$0x3]  }
0xf2: {  	s0 =	sadd.s32 @!p0 $0x100000, s0  }
0xf3: {  	[sflag:s0] =	ssyncadd.tile.s32 @!p0 $0x1;
	_ =	shalt  }
.Lfunc_end2:
_tile_overlayer_lowered:
.L_overlay_start_2:
0xf4: {  	(tag) =	ssettag $0x2  }
0xf5: {  	s0 =	rddreg [dreg:$0x0];
	s2 =	stileid.u32  }
0xf6: {  	s1 =	rddreg [dreg:$0x1];
	p0 =	sne.s32 s2, $0x0  }
0xf7: {  	s3 =	rddreg [dreg:$0x2];
	[bflag:$0x3] =	sbarrier.arrive $0xFFFF;
	s2 =	simm.s32 @!p0 $0x1C11  }
0xf8: {  	[timem:s3], [sflag:s2] =	dma.local @!p0 [hbm:s0], s1  }
0xf9: {  	s0 =	simm.s32 @!p0 $0x11  }
0xfa: {  	_ =	swait.ge @!p0 [sflag:s0], s1  }
0xfb: {  	s1 =	ssub.s32 @!p0 $0x0, s1;
	[sflag:s0] =	ssyncset.done @!p0 $0x0  }
0xfc: {  	[sflag:s0] =	ssyncadd.s32 @!p0 s1  }
0xfd: {  	[bflag:$0x3] =	sbarrier.arrive $0xFFFF  }
0xfe: {  	_ =	shalt  }

</sc_bundles>
